<compile_context>
chip_gen: v7x
topology: tpu7x:2x2x1
jax: 0.10.2.dev20260603
libtpu: 0.0.44.dev20260713+nightly
codegen_flags: <defaults>
</compile_context>

<pallas_src>
import functools

import jax
import jax.numpy as jnp
from jax import lax
from jax.experimental import pallas as pl
from jax.experimental.pallas import tpu as pltpu
from jax.experimental.pallas import tpu_sc as plsc

N = 10000
E = 320000
D_IN = 128
D_HID = 128
N_CLS = 64

NC = 2
NS = 16
ROW_STRIDE = 624
ROWS_PER_TILE = 640
CHUNK = 128
EDGES_PER_TILE = E // NS
NCHUNK = -(-EDGES_PER_TILE // CHUNK)
EPAD = NCHUNK * CHUNK



def _mm_bias_body(x_ref, w_ref, b_ref, z_ref, zb_ref):
    f2 = z_ref.shape[-1]
    z = jnp.dot(x_ref[...], w_ref[...], preferred_element_type=jnp.float32)
    zb = z + b_ref[...]
    z_ref[0] = z[:, :f2]
    z_ref[1] = z[:, f2:]
    zb_ref[0] = zb[:, :f2]
    zb_ref[1] = zb[:, f2:]


def _mm_bias(x, w, b):
    d = w.shape[1]
    out = jax.ShapeDtypeStruct((NC, N, d // NC), jnp.float32)
    return pl.pallas_call(_mm_bias_body, out_shape=(out, out))(x, w, b)


def _mlp_body(m_ref, w2_ref, b2_ref, w3_ref, b3_ref, y_ref, yb_ref):
    f2 = y_ref.shape[-1]
    m = jnp.concatenate([m_ref[0], m_ref[1]], axis=1)
    h = jnp.maximum(m, 0.0)
    h2 = jnp.dot(h, w2_ref[...], preferred_element_type=jnp.float32) + b2_ref[...]
    x1 = jnp.maximum(h2, 0.0)
    y = jnp.dot(x1, w3_ref[...], preferred_element_type=jnp.float32)
    yb = y + b3_ref[...]
    y_ref[0] = y[:, :f2]
    y_ref[1] = y[:, f2:]
    yb_ref[0] = yb[:, :f2]
    yb_ref[1] = yb[:, f2:]


def _mlp(m, w2, b2, w3, b3):
    out = jax.ShapeDtypeStruct((NC, N, N_CLS // NC), jnp.float32)
    return pl.pallas_call(_mlp_body, out_shape=(out, out))(m, w2, b2, w3, b3)



def _make_sc_agg(f2):
    mesh = plsc.VectorSubcoreMesh(core_axis_name="c", subcore_axis_name="s")

    @functools.partial(
        pl.kernel,
        out_type=jax.ShapeDtypeStruct((NC, N, f2), jnp.float32),
        mesh=mesh,
        scratch_types=[
            pltpu.VMEM((NCHUNK, CHUNK), jnp.int32),
            pltpu.VMEM((NCHUNK, CHUNK), jnp.int32),
            pltpu.VMEM((CHUNK, f2), jnp.float32),
            pltpu.VMEM((ROWS_PER_TILE, f2), jnp.float32),
            pltpu.VMEM_SHARED((N + 16, f2), jnp.float32),
            pltpu.SemaphoreType.DMA,
        ],
        compiler_params=pltpu.CompilerParams(use_tc_tiling_on_sc=False),
    )
    def agg(table_hbm, init_hbm, src_hbm, dst_hbm, out_hbm,
            src_v, dst_v, rows_v, stage_v, acc_s, sem):
        c = lax.axis_index("c")
        s = lax.axis_index("s")
        pltpu.sync_copy(src_hbm.at[s], src_v)
        pltpu.sync_copy(dst_hbm.at[s], dst_v)
        r0 = s * ROW_STRIDE
        pltpu.sync_copy(init_hbm.at[c].at[pl.ds(r0, ROWS_PER_TILE)], stage_v)
        pltpu.sync_copy(stage_v, acc_s.at[pl.ds(r0, ROWS_PER_TILE)])
        plsc.subcore_barrier()

        def body(j, carry):
            pltpu.async_copy(table_hbm.at[c].at[src_v.at[j]], rows_v, sem).wait()
            pltpu.sync_copy(rows_v, acc_s.at[dst_v.at[j]], add=True)
            return carry

        lax.fori_loop(0, NCHUNK, body, 0)
        plsc.subcore_barrier()
        pltpu.sync_copy(acc_s.at[pl.ds(r0, ROWS_PER_TILE)], stage_v)
        pltpu.sync_copy(stage_v, out_hbm.at[c].at[pl.ds(r0, ROWS_PER_TILE)])

    return agg


_sc_agg_64 = _make_sc_agg(D_HID // NC)
_sc_agg_32 = _make_sc_agg(N_CLS // NC)



@jax.jit
def kernel(x, edge_index, W1, b1, W2, b2, W3, b3):
    src = edge_index[0].astype(jnp.int32).reshape(NS, EDGES_PER_TILE)
    dst = edge_index[1].astype(jnp.int32).reshape(NS, EDGES_PER_TILE)
    pad = EPAD - EDGES_PER_TILE
    src_p = jnp.pad(src, ((0, 0), (0, pad))).reshape(NS, NCHUNK, CHUNK)
    dst_p = jnp.pad(dst, ((0, 0), (0, pad)), constant_values=N).reshape(
        NS, NCHUNK, CHUNK)

    zs, zbs = _mm_bias(x, W1, b1.reshape(1, D_HID))
    ms = _sc_agg_64(zs, zbs, src_p, dst_p)

    ys, ybs = _mlp(ms, W2, b2.reshape(1, D_HID), W3, b3.reshape(1, N_CLS))
    outs = _sc_agg_32(ys, ybs, src_p, dst_p)

    return outs.transpose(1, 0, 2).reshape(N, N_CLS)

# --- scband reference (transcript-rebuilt; emitter-appended) ---
"""Pipeline reference for scband-gin-53352083751032 (READ-ONLY COPY).

The authoritative reference and input builder live on the scoring server;
editing this copy changes nothing except your own understanding.
"""

import jax, jax.numpy as jnp
import numpy as np

N = 10000
E = 320000
D_IN = 128
D_HID = 128
N_CLS = 64

def setup_inputs(seed: int = 0) -> dict:
    key = jax.random.key(seed)
    ks = jax.random.split(key, 8)
    x = jax.random.normal(ks[0], (N, D_IN), dtype=jnp.float32)
    edge_index = jax.random.randint(ks[1], (2, E), 0, N, dtype=jnp.int64)
    # nn1 = Linear(D_IN, D_HID) -> ReLU -> Linear(D_HID, D_HID)
    W1 = jax.random.normal(ks[2], (D_IN, D_HID), dtype=jnp.float32) * (1.0 / np.sqrt(D_IN))
    b1 = jnp.zeros((D_HID,), dtype=jnp.float32)
    W2 = jax.random.normal(ks[3], (D_HID, D_HID), dtype=jnp.float32) * (1.0 / np.sqrt(D_HID))
    b2 = jnp.zeros((D_HID,), dtype=jnp.float32)
    # conv2 nn = Linear(D_HID, N_CLS)
    W3 = jax.random.normal(ks[4], (D_HID, N_CLS), dtype=jnp.float32) * (1.0 / np.sqrt(D_HID))
    b3 = jnp.zeros((N_CLS,), dtype=jnp.float32)
    return {"x": x, "edge_index": edge_index, "W1": W1, "b1": b1, "W2": W2, "b2": b2, "W3": W3, "b3": b3}

def _gin_aggregate(h, edge_index):
    # PyG GINConv: sum aggregation of source-node features at destination nodes
    src = edge_index[0]
    dst = edge_index[1]
    msgs = jnp.take(h, src, axis=0)
    agg = jax.ops.segment_sum(msgs, dst, num_segments=N)
    return agg

def reference(x, edge_index, W1, b1, W2, b2, W3, b3):
    eps = 0.0  # GINConv default eps
    # conv1: nn1((1+eps)*x + sum_neighbors(x))
    agg1 = _gin_aggregate(x, edge_index)
    h = (1.0 + eps) * x + agg1
    h = jnp.maximum(h @ W1 + b1, 0.0)
    h = h @ W2 + b2
    x1 = jnp.maximum(h, 0.0)  # F.relu after conv1
    # F.dropout(training=self.training): eval mode -> identity
    # conv2: nn2((1+eps)*x1 + sum_neighbors(x1))
    agg2 = _gin_aggregate(x1, edge_index)
    h2 = (1.0 + eps) * x1 + agg2
    out = h2 @ W3 + b3
    return out

if __name__ == "__main__":
    import jax
    _d = setup_inputs()
    print(jax.jit(kernel)(*tuple(_d.values())))

</pallas_src>

<mosaic_0001>
#map = affine_map<(d0, d1) -> (0, 0, 0)>
module attributes {stable_mosaic.version = 14 : i64} {
  func.func @agg(%arg0: i32, %arg1: i32, %arg2: memref<2x10000x64xf32, #tpu.memory_space<hbm>>, %arg3: memref<2x10000x64xf32, #tpu.memory_space<hbm>>, %arg4: memref<16x157x128xi32, #tpu.memory_space<hbm>>, %arg5: memref<16x157x128xi32, #tpu.memory_space<hbm>>, %arg6: memref<2x10000x64xf32, #tpu.memory_space<hbm>>, %arg7: memref<157x128xi32, #tpu.memory_space<vmem>>, %arg8: memref<157x128xi32, #tpu.memory_space<vmem>>, %arg9: memref<128x64xf32, #tpu.memory_space<vmem>>, %arg10: memref<640x64xf32, #tpu.memory_space<vmem>>, %arg11: memref<10016x64xf32, #tpu.memory_space<vmem_shared>>, %arg12: memref<!tpu.dma_semaphore, #tpu.memory_space<semaphore_mem>>) attributes {dimension_semantics = [#tpu.dimension_semantics<core_parallel>, #tpu.dimension_semantics<subcore_parallel>], iteration_bounds = array<i64: 2, 16>, scalar_prefetch = 0 : i64, scratch_operands = 6 : i64, tpu.core_type = #tpu.core_type<sc_vector_subcore>, window_params = [{transform_indices = #map}, {transform_indices = #map}, {transform_indices = #map}, {transform_indices = #map}, {transform_indices = #map}]} {
    "tpu.region"() ({
      %run_scoped3A = tpu.sem_alloc : memref<!tpu.dma_semaphore, #tpu.memory_space<semaphore_mem>>
      %dma_start3A = arith.constant 0 : i32
      %dma_start3A_7 = arith.constant 0 : i32
      %dma_start3A_8 = tpu.memref_slice %arg4[%arg1, %dma_start3A, %dma_start3A_7] : memref<16x157x128xi32, #tpu.memory_space<hbm>> -> memref<1x157x128xi32, #tpu.memory_space<hbm>>
      %dma_start3A_9 = tpu.memref_squeeze %dma_start3A_8 : memref<1x157x128xi32, #tpu.memory_space<hbm>> -> memref<157x128xi32, #tpu.memory_space<hbm>>
      %dma_start3A_10 = arith.constant 0 : i32
      %dma_start3A_11 = arith.constant 0 : i32
      %dma_start3A_12 = tpu.memref_slice %arg4[%arg1, %dma_start3A_10, %dma_start3A_11] : memref<16x157x128xi32, #tpu.memory_space<hbm>> -> memref<1x157x128xi32, #tpu.memory_space<hbm>>
      %dma_start3A_13 = tpu.memref_squeeze %dma_start3A_12 : memref<1x157x128xi32, #tpu.memory_space<hbm>> -> memref<157x128xi32, #tpu.memory_space<hbm>>
      tpu.enqueue_dma source(%dma_start3A_13 : memref<157x128xi32, #tpu.memory_space<hbm>>) target(%arg7 : memref<157x128xi32, #tpu.memory_space<vmem>>) target_semaphore(%run_scoped3A : memref<!tpu.dma_semaphore, #tpu.memory_space<semaphore_mem>>)
      %dma_wait3A = arith.constant 0 : i32
      %dma_wait3A_14 = arith.constant 0 : i32
      %dma_wait3A_15 = tpu.memref_slice %arg4[%arg1, %dma_wait3A, %dma_wait3A_14] : memref<16x157x128xi32, #tpu.memory_space<hbm>> -> memref<1x157x128xi32, #tpu.memory_space<hbm>>
      %dma_wait3A_16 = tpu.memref_squeeze %dma_wait3A_15 : memref<1x157x128xi32, #tpu.memory_space<hbm>> -> memref<157x128xi32, #tpu.memory_space<hbm>>
      %dma_wait3A_17 = arith.constant 0 : i32
      %dma_wait3A_18 = arith.constant 0 : i32
      %dma_wait3A_19 = tpu.memref_slice %arg4[%arg1, %dma_wait3A_17, %dma_wait3A_18] : memref<16x157x128xi32, #tpu.memory_space<hbm>> -> memref<1x157x128xi32, #tpu.memory_space<hbm>>
      %dma_wait3A_20 = tpu.memref_squeeze %dma_wait3A_19 : memref<1x157x128xi32, #tpu.memory_space<hbm>> -> memref<157x128xi32, #tpu.memory_space<hbm>>
      tpu.wait_dma2 semaphore(%run_scoped3A : memref<!tpu.dma_semaphore, #tpu.memory_space<semaphore_mem>>) src(%dma_wait3A_20 : memref<157x128xi32, #tpu.memory_space<hbm>>) dst(%arg7 : memref<157x128xi32, #tpu.memory_space<vmem>>)
      tpu.yield
    }) : () -> ()
    "tpu.region"() ({
      %run_scoped3A = tpu.sem_alloc : memref<!tpu.dma_semaphore, #tpu.memory_space<semaphore_mem>>
      %dma_start3A = arith.constant 0 : i32
      %dma_start3A_7 = arith.constant 0 : i32
      %dma_start3A_8 = tpu.memref_slice %arg5[%arg1, %dma_start3A, %dma_start3A_7] : memref<16x157x128xi32, #tpu.memory_space<hbm>> -> memref<1x157x128xi32, #tpu.memory_space<hbm>>
      %dma_start3A_9 = tpu.memref_squeeze %dma_start3A_8 : memref<1x157x128xi32, #tpu.memory_space<hbm>> -> memref<157x128xi32, #tpu.memory_space<hbm>>
      %dma_start3A_10 = arith.constant 0 : i32
      %dma_start3A_11 = arith.constant 0 : i32
      %dma_start3A_12 = tpu.memref_slice %arg5[%arg1, %dma_start3A_10, %dma_start3A_11] : memref<16x157x128xi32, #tpu.memory_space<hbm>> -> memref<1x157x128xi32, #tpu.memory_space<hbm>>
      %dma_start3A_13 = tpu.memref_squeeze %dma_start3A_12 : memref<1x157x128xi32, #tpu.memory_space<hbm>> -> memref<157x128xi32, #tpu.memory_space<hbm>>
      tpu.enqueue_dma source(%dma_start3A_13 : memref<157x128xi32, #tpu.memory_space<hbm>>) target(%arg8 : memref<157x128xi32, #tpu.memory_space<vmem>>) target_semaphore(%run_scoped3A : memref<!tpu.dma_semaphore, #tpu.memory_space<semaphore_mem>>)
      %dma_wait3A = arith.constant 0 : i32
      %dma_wait3A_14 = arith.constant 0 : i32
      %dma_wait3A_15 = tpu.memref_slice %arg5[%arg1, %dma_wait3A, %dma_wait3A_14] : memref<16x157x128xi32, #tpu.memory_space<hbm>> -> memref<1x157x128xi32, #tpu.memory_space<hbm>>
      %dma_wait3A_16 = tpu.memref_squeeze %dma_wait3A_15 : memref<1x157x128xi32, #tpu.memory_space<hbm>> -> memref<157x128xi32, #tpu.memory_space<hbm>>
      %dma_wait3A_17 = arith.constant 0 : i32
      %dma_wait3A_18 = arith.constant 0 : i32
      %dma_wait3A_19 = tpu.memref_slice %arg5[%arg1, %dma_wait3A_17, %dma_wait3A_18] : memref<16x157x128xi32, #tpu.memory_space<hbm>> -> memref<1x157x128xi32, #tpu.memory_space<hbm>>
      %dma_wait3A_20 = tpu.memref_squeeze %dma_wait3A_19 : memref<1x157x128xi32, #tpu.memory_space<hbm>> -> memref<157x128xi32, #tpu.memory_space<hbm>>
      tpu.wait_dma2 semaphore(%run_scoped3A : memref<!tpu.dma_semaphore, #tpu.memory_space<semaphore_mem>>) src(%dma_wait3A_20 : memref<157x128xi32, #tpu.memory_space<hbm>>) dst(%arg8 : memref<157x128xi32, #tpu.memory_space<vmem>>)
      tpu.yield
    }) : () -> ()
    %mul3A = arith.constant 624 : i32
    %mul3A_0 = arith.muli %arg1, %mul3A : i32
    "tpu.region"() ({
      %run_scoped3A = tpu.sem_alloc : memref<!tpu.dma_semaphore, #tpu.memory_space<semaphore_mem>>
      %dma_start3A = arith.constant 0 : i32
      %dma_start3A_7 = arith.constant 0 : i32
      %dma_start3A_8 = tpu.memref_slice %arg3[%arg0, %dma_start3A, %dma_start3A_7] : memref<2x10000x64xf32, #tpu.memory_space<hbm>> -> memref<1x10000x64xf32, #tpu.memory_space<hbm>>
      %dma_start3A_9 = tpu.memref_squeeze %dma_start3A_8 : memref<1x10000x64xf32, #tpu.memory_space<hbm>> -> memref<10000x64xf32, #tpu.memory_space<hbm>>
      %dma_start3A_10 = arith.constant 0 : i32
      %dma_start3A_11 = tpu.memref_slice %dma_start3A_9[%mul3A_0, %dma_start3A_10] : memref<10000x64xf32, #tpu.memory_space<hbm>> -> memref<640x64xf32, #tpu.memory_space<hbm>>
      %dma_start3A_12 = arith.constant 0 : i32
      %dma_start3A_13 = arith.constant 0 : i32
      %dma_start3A_14 = tpu.memref_slice %arg3[%arg0, %dma_start3A_12, %dma_start3A_13] : memref<2x10000x64xf32, #tpu.memory_space<hbm>> -> memref<1x10000x64xf32, #tpu.memory_space<hbm>>
      %dma_start3A_15 = tpu.memref_squeeze %dma_start3A_14 : memref<1x10000x64xf32, #tpu.memory_space<hbm>> -> memref<10000x64xf32, #tpu.memory_space<hbm>>
      %dma_start3A_16 = arith.constant 0 : i32
      %dma_start3A_17 = tpu.memref_slice %dma_start3A_15[%mul3A_0, %dma_start3A_16] : memref<10000x64xf32, #tpu.memory_space<hbm>> -> memref<640x64xf32, #tpu.memory_space<hbm>>
      tpu.enqueue_dma source(%dma_start3A_17 : memref<640x64xf32, #tpu.memory_space<hbm>>) target(%arg10 : memref<640x64xf32, #tpu.memory_space<vmem>>) target_semaphore(%run_scoped3A : memref<!tpu.dma_semaphore, #tpu.memory_space<semaphore_mem>>)
      %dma_wait3A = arith.constant 0 : i32
      %dma_wait3A_18 = arith.constant 0 : i32
      %dma_wait3A_19 = tpu.memref_slice %arg3[%arg0, %dma_wait3A, %dma_wait3A_18] : memref<2x10000x64xf32, #tpu.memory_space<hbm>> -> memref<1x10000x64xf32, #tpu.memory_space<hbm>>
      %dma_wait3A_20 = tpu.memref_squeeze %dma_wait3A_19 : memref<1x10000x64xf32, #tpu.memory_space<hbm>> -> memref<10000x64xf32, #tpu.memory_space<hbm>>
      %dma_wait3A_21 = arith.constant 0 : i32
      %dma_wait3A_22 = tpu.memref_slice %dma_wait3A_20[%mul3A_0, %dma_wait3A_21] : memref<10000x64xf32, #tpu.memory_space<hbm>> -> memref<640x64xf32, #tpu.memory_space<hbm>>
      %dma_wait3A_23 = arith.constant 0 : i32
      %dma_wait3A_24 = arith.constant 0 : i32
      %dma_wait3A_25 = tpu.memref_slice %arg3[%arg0, %dma_wait3A_23, %dma_wait3A_24] : memref<2x10000x64xf32, #tpu.memory_space<hbm>> -> memref<1x10000x64xf32, #tpu.memory_space<hbm>>
      %dma_wait3A_26 = tpu.memref_squeeze %dma_wait3A_25 : memref<1x10000x64xf32, #tpu.memory_space<hbm>> -> memref<10000x64xf32, #tpu.memory_space<hbm>>
      %dma_wait3A_27 = arith.constant 0 : i32
      %dma_wait3A_28 = tpu.memref_slice %dma_wait3A_26[%mul3A_0, %dma_wait3A_27] : memref<10000x64xf32, #tpu.memory_space<hbm>> -> memref<640x64xf32, #tpu.memory_space<hbm>>
      tpu.wait_dma2 semaphore(%run_scoped3A : memref<!tpu.dma_semaphore, #tpu.memory_space<semaphore_mem>>) src(%dma_wait3A_28 : memref<640x64xf32, #tpu.memory_space<hbm>>) dst(%arg10 : memref<640x64xf32, #tpu.memory_space<vmem>>)
      tpu.yield
    }) : () -> ()
    "tpu.region"() ({
      %run_scoped3A = tpu.sem_alloc : memref<!tpu.dma_semaphore, #tpu.memory_space<semaphore_mem>>
      %dma_start3A = arith.constant 0 : i32
      %dma_start3A_7 = tpu.memref_slice %arg11[%mul3A_0, %dma_start3A] : memref<10016x64xf32, #tpu.memory_space<vmem_shared>> -> memref<640x64xf32, #tpu.memory_space<vmem_shared>>
      %dma_start3A_8 = arith.constant 0 : i32
      %dma_start3A_9 = tpu.memref_slice %arg11[%mul3A_0, %dma_start3A_8] : memref<10016x64xf32, #tpu.memory_space<vmem_shared>> -> memref<640x64xf32, #tpu.memory_space<vmem_shared>>
      tpu.enqueue_dma source(%arg10 : memref<640x64xf32, #tpu.memory_space<vmem>>) target(%dma_start3A_9 : memref<640x64xf32, #tpu.memory_space<vmem_shared>>) target_semaphore(%run_scoped3A : memref<!tpu.dma_semaphore, #tpu.memory_space<semaphore_mem>>)
      %dma_wait3A = arith.constant 0 : i32
      %dma_wait3A_10 = tpu.memref_slice %arg11[%mul3A_0, %dma_wait3A] : memref<10016x64xf32, #tpu.memory_space<vmem_shared>> -> memref<640x64xf32, #tpu.memory_space<vmem_shared>>
      %dma_wait3A_11 = arith.constant 0 : i32
      %dma_wait3A_12 = tpu.memref_slice %arg11[%mul3A_0, %dma_wait3A_11] : memref<10016x64xf32, #tpu.memory_space<vmem_shared>> -> memref<640x64xf32, #tpu.memory_space<vmem_shared>>
      tpu.wait_dma2 semaphore(%run_scoped3A : memref<!tpu.dma_semaphore, #tpu.memory_space<semaphore_mem>>) src(%arg10 : memref<640x64xf32, #tpu.memory_space<vmem>>) dst(%dma_wait3A_12 : memref<640x64xf32, #tpu.memory_space<vmem_shared>>)
      tpu.yield
    }) : () -> ()
    %barrier3A = arith.constant 0 : index
    tpu.barrier barrier_id(%barrier3A)
    %scan3A = arith.constant 0 : i32
    %scan3A_1 = arith.constant 0 : i32
    %scan3A_2 = arith.constant 157 : i32
    %scan3A_3 = arith.addi %scan3A_1, %scan3A_2 : i32
    %scan3A_4 = arith.constant 1 : i32
    scf.for %scan3A_7 = %scan3A_1 to %scan3A_3 step %scan3A_4  : i32 {
      %dma_start3A = arith.constant 0 : i32
      %dma_start3A_8 = tpu.memref_slice %arg7[%scan3A_7, %dma_start3A] : memref<157x128xi32, #tpu.memory_space<vmem>> -> memref<1x128xi32, #tpu.memory_space<vmem>>
      %dma_start3A_9 = tpu.memref_squeeze %dma_start3A_8 : memref<1x128xi32, #tpu.memory_space<vmem>> -> memref<128xi32, #tpu.memory_space<vmem>>
      %dma_start3A_10 = arith.constant 0 : i32
      %dma_start3A_11 = arith.constant 0 : i32
      %dma_start3A_12 = tpu.memref_slice %arg2[%arg0, %dma_start3A_10, %dma_start3A_11] : memref<2x10000x64xf32, #tpu.memory_space<hbm>> -> memref<1x10000x64xf32, #tpu.memory_space<hbm>>
      %dma_start3A_13 = tpu.memref_squeeze %dma_start3A_12 : memref<1x10000x64xf32, #tpu.memory_space<hbm>> -> memref<10000x64xf32, #tpu.memory_space<hbm>>
      %dma_start3A_14 = arith.constant 0 : i32
      %dma_start3A_15 = arith.constant 0 : i32
      %dma_start3A_16 = tpu.memref_slice %dma_start3A_13[%dma_start3A_14, %dma_start3A_15] : memref<10000x64xf32, #tpu.memory_space<hbm>> -> memref<10000x64xf32, #tpu.memory_space<hbm>>
      tpu.enqueue_indirect_dma source(%dma_start3A_16 : memref<10000x64xf32, #tpu.memory_space<hbm>>) target(%arg9 : memref<128x64xf32, #tpu.memory_space<vmem>>) offsets(%dma_start3A_9 : memref<128xi32, #tpu.memory_space<vmem>>) semaphore(%arg12 : memref<!tpu.dma_semaphore, #tpu.memory_space<semaphore_mem>>)
      %dma_wait3A = arith.constant 0 : i32
      %dma_wait3A_17 = tpu.memref_slice %arg7[%scan3A_7, %dma_wait3A] : memref<157x128xi32, #tpu.memory_space<vmem>> -> memref<1x128xi32, #tpu.memory_space<vmem>>
      %dma_wait3A_18 = tpu.memref_squeeze %dma_wait3A_17 : memref<1x128xi32, #tpu.memory_space<vmem>> -> memref<128xi32, #tpu.memory_space<vmem>>
      %dma_wait3A_19 = arith.constant 0 : i32
      %dma_wait3A_20 = arith.constant 0 : i32
      %dma_wait3A_21 = tpu.memref_slice %arg2[%arg0, %dma_wait3A_19, %dma_wait3A_20] : memref<2x10000x64xf32, #tpu.memory_space<hbm>> -> memref<1x10000x64xf32, #tpu.memory_space<hbm>>
      %dma_wait3A_22 = tpu.memref_squeeze %dma_wait3A_21 : memref<1x10000x64xf32, #tpu.memory_space<hbm>> -> memref<10000x64xf32, #tpu.memory_space<hbm>>
      %dma_wait3A_23 = arith.constant 0 : i32
      %dma_wait3A_24 = arith.constant 0 : i32
      %dma_wait3A_25 = tpu.memref_slice %dma_wait3A_22[%dma_wait3A_23, %dma_wait3A_24] : memref<10000x64xf32, #tpu.memory_space<hbm>> -> memref<10000x64xf32, #tpu.memory_space<hbm>>
      tpu.wait_indirect_dma semaphore(%arg12 : memref<!tpu.dma_semaphore, #tpu.memory_space<semaphore_mem>>) src(%dma_wait3A_25 : memref<10000x64xf32, #tpu.memory_space<hbm>>) dst(%arg9 : memref<128x64xf32, #tpu.memory_space<vmem>>)
      "tpu.region"() ({
        %run_scoped3A = tpu.sem_alloc : memref<!tpu.dma_semaphore, #tpu.memory_space<semaphore_mem>>
        %dma_start3A_26 = arith.constant 0 : i32
        %dma_start3A_27 = tpu.memref_slice %arg8[%scan3A_7, %dma_start3A_26] : memref<157x128xi32, #tpu.memory_space<vmem>> -> memref<1x128xi32, #tpu.memory_space<vmem>>
        %dma_start3A_28 = tpu.memref_squeeze %dma_start3A_27 : memref<1x128xi32, #tpu.memory_space<vmem>> -> memref<128xi32, #tpu.memory_space<vmem>>
        %dma_start3A_29 = arith.constant 0 : i32
        %dma_start3A_30 = arith.constant 0 : i32
        %dma_start3A_31 = tpu.memref_slice %arg11[%dma_start3A_29, %dma_start3A_30] : memref<10016x64xf32, #tpu.memory_space<vmem_shared>> -> memref<10016x64xf32, #tpu.memory_space<vmem_shared>>
        tpu.enqueue_indirect_dma source(%arg9 : memref<128x64xf32, #tpu.memory_space<vmem>>) target(%dma_start3A_31 : memref<10016x64xf32, #tpu.memory_space<vmem_shared>>) offsets(%dma_start3A_28 : memref<128xi32, #tpu.memory_space<vmem>>) semaphore(%run_scoped3A : memref<!tpu.dma_semaphore, #tpu.memory_space<semaphore_mem>>) {add = true}
        %dma_wait3A_32 = arith.constant 0 : i32
        %dma_wait3A_33 = tpu.memref_slice %arg8[%scan3A_7, %dma_wait3A_32] : memref<157x128xi32, #tpu.memory_space<vmem>> -> memref<1x128xi32, #tpu.memory_space<vmem>>
        %dma_wait3A_34 = tpu.memref_squeeze %dma_wait3A_33 : memref<1x128xi32, #tpu.memory_space<vmem>> -> memref<128xi32, #tpu.memory_space<vmem>>
        %dma_wait3A_35 = arith.constant 0 : i32
        %dma_wait3A_36 = arith.constant 0 : i32
        %dma_wait3A_37 = tpu.memref_slice %arg11[%dma_wait3A_35, %dma_wait3A_36] : memref<10016x64xf32, #tpu.memory_space<vmem_shared>> -> memref<10016x64xf32, #tpu.memory_space<vmem_shared>>
        tpu.wait_indirect_dma semaphore(%run_scoped3A : memref<!tpu.dma_semaphore, #tpu.memory_space<semaphore_mem>>) src(%arg9 : memref<128x64xf32, #tpu.memory_space<vmem>>) dst(%dma_wait3A_37 : memref<10016x64xf32, #tpu.memory_space<vmem_shared>>)
        tpu.yield
      }) : () -> ()
    }
    %scan3A_5 = arith.constant 157 : i32
    %barrier3A_6 = arith.constant 0 : index
    tpu.barrier barrier_id(%barrier3A_6)
    "tpu.region"() ({
      %run_scoped3A = tpu.sem_alloc : memref<!tpu.dma_semaphore, #tpu.memory_space<semaphore_mem>>
      %dma_start3A = arith.constant 0 : i32
      %dma_start3A_7 = tpu.memref_slice %arg11[%mul3A_0, %dma_start3A] : memref<10016x64xf32, #tpu.memory_space<vmem_shared>> -> memref<640x64xf32, #tpu.memory_space<vmem_shared>>
      %dma_start3A_8 = arith.constant 0 : i32
      %dma_start3A_9 = tpu.memref_slice %arg11[%mul3A_0, %dma_start3A_8] : memref<10016x64xf32, #tpu.memory_space<vmem_shared>> -> memref<640x64xf32, #tpu.memory_space<vmem_shared>>
      tpu.enqueue_dma source(%dma_start3A_9 : memref<640x64xf32, #tpu.memory_space<vmem_shared>>) target(%arg10 : memref<640x64xf32, #tpu.memory_space<vmem>>) target_semaphore(%run_scoped3A : memref<!tpu.dma_semaphore, #tpu.memory_space<semaphore_mem>>)
      %dma_wait3A = arith.constant 0 : i32
      %dma_wait3A_10 = tpu.memref_slice %arg11[%mul3A_0, %dma_wait3A] : memref<10016x64xf32, #tpu.memory_space<vmem_shared>> -> memref<640x64xf32, #tpu.memory_space<vmem_shared>>
      %dma_wait3A_11 = arith.constant 0 : i32
      %dma_wait3A_12 = tpu.memref_slice %arg11[%mul3A_0, %dma_wait3A_11] : memref<10016x64xf32, #tpu.memory_space<vmem_shared>> -> memref<640x64xf32, #tpu.memory_space<vmem_shared>>
      tpu.wait_dma2 semaphore(%run_scoped3A : memref<!tpu.dma_semaphore, #tpu.memory_space<semaphore_mem>>) src(%dma_wait3A_12 : memref<640x64xf32, #tpu.memory_space<vmem_shared>>) dst(%arg10 : memref<640x64xf32, #tpu.memory_space<vmem>>)
      tpu.yield
    }) : () -> ()
    "tpu.region"() ({
      %run_scoped3A = tpu.sem_alloc : memref<!tpu.dma_semaphore, #tpu.memory_space<semaphore_mem>>
      %dma_start3A = arith.constant 0 : i32
      %dma_start3A_7 = arith.constant 0 : i32
      %dma_start3A_8 = tpu.memref_slice %arg6[%arg0, %dma_start3A, %dma_start3A_7] : memref<2x10000x64xf32, #tpu.memory_space<hbm>> -> memref<1x10000x64xf32, #tpu.memory_space<hbm>>
      %dma_start3A_9 = tpu.memref_squeeze %dma_start3A_8 : memref<1x10000x64xf32, #tpu.memory_space<hbm>> -> memref<10000x64xf32, #tpu.memory_space<hbm>>
      %dma_start3A_10 = arith.constant 0 : i32
      %dma_start3A_11 = tpu.memref_slice %dma_start3A_9[%mul3A_0, %dma_start3A_10] : memref<10000x64xf32, #tpu.memory_space<hbm>> -> memref<640x64xf32, #tpu.memory_space<hbm>>
      %dma_start3A_12 = arith.constant 0 : i32
      %dma_start3A_13 = arith.constant 0 : i32
      %dma_start3A_14 = tpu.memref_slice %arg6[%arg0, %dma_start3A_12, %dma_start3A_13] : memref<2x10000x64xf32, #tpu.memory_space<hbm>> -> memref<1x10000x64xf32, #tpu.memory_space<hbm>>
      %dma_start3A_15 = tpu.memref_squeeze %dma_start3A_14 : memref<1x10000x64xf32, #tpu.memory_space<hbm>> -> memref<10000x64xf32, #tpu.memory_space<hbm>>
      %dma_start3A_16 = arith.constant 0 : i32
      %dma_start3A_17 = tpu.memref_slice %dma_start3A_15[%mul3A_0, %dma_start3A_16] : memref<10000x64xf32, #tpu.memory_space<hbm>> -> memref<640x64xf32, #tpu.memory_space<hbm>>
      tpu.enqueue_dma source(%arg10 : memref<640x64xf32, #tpu.memory_space<vmem>>) target(%dma_start3A_17 : memref<640x64xf32, #tpu.memory_space<hbm>>) target_semaphore(%run_scoped3A : memref<!tpu.dma_semaphore, #tpu.memory_space<semaphore_mem>>)
      %dma_wait3A = arith.constant 0 : i32
      %dma_wait3A_18 = arith.constant 0 : i32
      %dma_wait3A_19 = tpu.memref_slice %arg6[%arg0, %dma_wait3A, %dma_wait3A_18] : memref<2x10000x64xf32, #tpu.memory_space<hbm>> -> memref<1x10000x64xf32, #tpu.memory_space<hbm>>
      %dma_wait3A_20 = tpu.memref_squeeze %dma_wait3A_19 : memref<1x10000x64xf32, #tpu.memory_space<hbm>> -> memref<10000x64xf32, #tpu.memory_space<hbm>>
      %dma_wait3A_21 = arith.constant 0 : i32
      %dma_wait3A_22 = tpu.memref_slice %dma_wait3A_20[%mul3A_0, %dma_wait3A_21] : memref<10000x64xf32, #tpu.memory_space<hbm>> -> memref<640x64xf32, #tpu.memory_space<hbm>>
      %dma_wait3A_23 = arith.constant 0 : i32
      %dma_wait3A_24 = arith.constant 0 : i32
      %dma_wait3A_25 = tpu.memref_slice %arg6[%arg0, %dma_wait3A_23, %dma_wait3A_24] : memref<2x10000x64xf32, #tpu.memory_space<hbm>> -> memref<1x10000x64xf32, #tpu.memory_space<hbm>>
      %dma_wait3A_26 = tpu.memref_squeeze %dma_wait3A_25 : memref<1x10000x64xf32, #tpu.memory_space<hbm>> -> memref<10000x64xf32, #tpu.memory_space<hbm>>
      %dma_wait3A_27 = arith.constant 0 : i32
      %dma_wait3A_28 = tpu.memref_slice %dma_wait3A_26[%mul3A_0, %dma_wait3A_27] : memref<10000x64xf32, #tpu.memory_space<hbm>> -> memref<640x64xf32, #tpu.memory_space<hbm>>
      tpu.wait_dma2 semaphore(%run_scoped3A : memref<!tpu.dma_semaphore, #tpu.memory_space<semaphore_mem>>) src(%arg10 : memref<640x64xf32, #tpu.memory_space<vmem>>) dst(%dma_wait3A_28 : memref<640x64xf32, #tpu.memory_space<hbm>>)
      tpu.yield
    }) : () -> ()
    return
  }
}

#map = affine_map<(d0, d1) -> (0, 0, 0)>
module attributes {stable_mosaic.version = 14 : i64} {
  func.func @agg(%arg0: i32, %arg1: i32, %arg2: memref<2x10000x32xf32, #tpu.memory_space<hbm>>, %arg3: memref<2x10000x32xf32, #tpu.memory_space<hbm>>, %arg4: memref<16x157x128xi32, #tpu.memory_space<hbm>>, %arg5: memref<16x157x128xi32, #tpu.memory_space<hbm>>, %arg6: memref<2x10000x32xf32, #tpu.memory_space<hbm>>, %arg7: memref<157x128xi32, #tpu.memory_space<vmem>>, %arg8: memref<157x128xi32, #tpu.memory_space<vmem>>, %arg9: memref<128x32xf32, #tpu.memory_space<vmem>>, %arg10: memref<640x32xf32, #tpu.memory_space<vmem>>, %arg11: memref<10016x32xf32, #tpu.memory_space<vmem_shared>>, %arg12: memref<!tpu.dma_semaphore, #tpu.memory_space<semaphore_mem>>) attributes {dimension_semantics = [#tpu.dimension_semantics<core_parallel>, #tpu.dimension_semantics<subcore_parallel>], iteration_bounds = array<i64: 2, 16>, scalar_prefetch = 0 : i64, scratch_operands = 6 : i64, tpu.core_type = #tpu.core_type<sc_vector_subcore>, window_params = [{transform_indices = #map}, {transform_indices = #map}, {transform_indices = #map}, {transform_indices = #map}, {transform_indices = #map}]} {
    "tpu.region"() ({
      %run_scoped3A = tpu.sem_alloc : memref<!tpu.dma_semaphore, #tpu.memory_space<semaphore_mem>>
      %dma_start3A = arith.constant 0 : i32
      %dma_start3A_7 = arith.constant 0 : i32
      %dma_start3A_8 = tpu.memref_slice %arg4[%arg1, %dma_start3A, %dma_start3A_7] : memref<16x157x128xi32, #tpu.memory_space<hbm>> -> memref<1x157x128xi32, #tpu.memory_space<hbm>>
      %dma_start3A_9 = tpu.memref_squeeze %dma_start3A_8 : memref<1x157x128xi32, #tpu.memory_space<hbm>> -> memref<157x128xi32, #tpu.memory_space<hbm>>
      %dma_start3A_10 = arith.constant 0 : i32
      %dma_start3A_11 = arith.constant 0 : i32
      %dma_start3A_12 = tpu.memref_slice %arg4[%arg1, %dma_start3A_10, %dma_start3A_11] : memref<16x157x128xi32, #tpu.memory_space<hbm>> -> memref<1x157x128xi32, #tpu.memory_space<hbm>>
      %dma_start3A_13 = tpu.memref_squeeze %dma_start3A_12 : memref<1x157x128xi32, #tpu.memory_space<hbm>> -> memref<157x128xi32, #tpu.memory_space<hbm>>
      tpu.enqueue_dma source(%dma_start3A_13 : memref<157x128xi32, #tpu.memory_space<hbm>>) target(%arg7 : memref<157x128xi32, #tpu.memory_space<vmem>>) target_semaphore(%run_scoped3A : memref<!tpu.dma_semaphore, #tpu.memory_space<semaphore_mem>>)
      %dma_wait3A = arith.constant 0 : i32
      %dma_wait3A_14 = arith.constant 0 : i32
      %dma_wait3A_15 = tpu.memref_slice %arg4[%arg1, %dma_wait3A, %dma_wait3A_14] : memref<16x157x128xi32, #tpu.memory_space<hbm>> -> memref<1x157x128xi32, #tpu.memory_space<hbm>>
      %dma_wait3A_16 = tpu.memref_squeeze %dma_wait3A_15 : memref<1x157x128xi32, #tpu.memory_space<hbm>> -> memref<157x128xi32, #tpu.memory_space<hbm>>
      %dma_wait3A_17 = arith.constant 0 : i32
      %dma_wait3A_18 = arith.constant 0 : i32
      %dma_wait3A_19 = tpu.memref_slice %arg4[%arg1, %dma_wait3A_17, %dma_wait3A_18] : memref<16x157x128xi32, #tpu.memory_space<hbm>> -> memref<1x157x128xi32, #tpu.memory_space<hbm>>
      %dma_wait3A_20 = tpu.memref_squeeze %dma_wait3A_19 : memref<1x157x128xi32, #tpu.memory_space<hbm>> -> memref<157x128xi32, #tpu.memory_space<hbm>>
      tpu.wait_dma2 semaphore(%run_scoped3A : memref<!tpu.dma_semaphore, #tpu.memory_space<semaphore_mem>>) src(%dma_wait3A_20 : memref<157x128xi32, #tpu.memory_space<hbm>>) dst(%arg7 : memref<157x128xi32, #tpu.memory_space<vmem>>)
      tpu.yield
    }) : () -> ()
    "tpu.region"() ({
      %run_scoped3A = tpu.sem_alloc : memref<!tpu.dma_semaphore, #tpu.memory_space<semaphore_mem>>
      %dma_start3A = arith.constant 0 : i32
      %dma_start3A_7 = arith.constant 0 : i32
      %dma_start3A_8 = tpu.memref_slice %arg5[%arg1, %dma_start3A, %dma_start3A_7] : memref<16x157x128xi32, #tpu.memory_space<hbm>> -> memref<1x157x128xi32, #tpu.memory_space<hbm>>
      %dma_start3A_9 = tpu.memref_squeeze %dma_start3A_8 : memref<1x157x128xi32, #tpu.memory_space<hbm>> -> memref<157x128xi32, #tpu.memory_space<hbm>>
      %dma_start3A_10 = arith.constant 0 : i32
      %dma_start3A_11 = arith.constant 0 : i32
      %dma_start3A_12 = tpu.memref_slice %arg5[%arg1, %dma_start3A_10, %dma_start3A_11] : memref<16x157x128xi32, #tpu.memory_space<hbm>> -> memref<1x157x128xi32, #tpu.memory_space<hbm>>
      %dma_start3A_13 = tpu.memref_squeeze %dma_start3A_12 : memref<1x157x128xi32, #tpu.memory_space<hbm>> -> memref<157x128xi32, #tpu.memory_space<hbm>>
      tpu.enqueue_dma source(%dma_start3A_13 : memref<157x128xi32, #tpu.memory_space<hbm>>) target(%arg8 : memref<157x128xi32, #tpu.memory_space<vmem>>) target_semaphore(%run_scoped3A : memref<!tpu.dma_semaphore, #tpu.memory_space<semaphore_mem>>)
      %dma_wait3A = arith.constant 0 : i32
      %dma_wait3A_14 = arith.constant 0 : i32
      %dma_wait3A_15 = tpu.memref_slice %arg5[%arg1, %dma_wait3A, %dma_wait3A_14] : memref<16x157x128xi32, #tpu.memory_space<hbm>> -> memref<1x157x128xi32, #tpu.memory_space<hbm>>
      %dma_wait3A_16 = tpu.memref_squeeze %dma_wait3A_15 : memref<1x157x128xi32, #tpu.memory_space<hbm>> -> memref<157x128xi32, #tpu.memory_space<hbm>>
      %dma_wait3A_17 = arith.constant 0 : i32
      %dma_wait3A_18 = arith.constant 0 : i32
      %dma_wait3A_19 = tpu.memref_slice %arg5[%arg1, %dma_wait3A_17, %dma_wait3A_18] : memref<16x157x128xi32, #tpu.memory_space<hbm>> -> memref<1x157x128xi32, #tpu.memory_space<hbm>>
      %dma_wait3A_20 = tpu.memref_squeeze %dma_wait3A_19 : memref<1x157x128xi32, #tpu.memory_space<hbm>> -> memref<157x128xi32, #tpu.memory_space<hbm>>
      tpu.wait_dma2 semaphore(%run_scoped3A : memref<!tpu.dma_semaphore, #tpu.memory_space<semaphore_mem>>) src(%dma_wait3A_20 : memref<157x128xi32, #tpu.memory_space<hbm>>) dst(%arg8 : memref<157x128xi32, #tpu.memory_space<vmem>>)
      tpu.yield
    }) : () -> ()
    %mul3A = arith.constant 624 : i32
    %mul3A_0 = arith.muli %arg1, %mul3A : i32
    "tpu.region"() ({
      %run_scoped3A = tpu.sem_alloc : memref<!tpu.dma_semaphore, #tpu.memory_space<semaphore_mem>>
      %dma_start3A = arith.constant 0 : i32
      %dma_start3A_7 = arith.constant 0 : i32
      %dma_start3A_8 = tpu.memref_slice %arg3[%arg0, %dma_start3A, %dma_start3A_7] : memref<2x10000x32xf32, #tpu.memory_space<hbm>> -> memref<1x10000x32xf32, #tpu.memory_space<hbm>>
      %dma_start3A_9 = tpu.memref_squeeze %dma_start3A_8 : memref<1x10000x32xf32, #tpu.memory_space<hbm>> -> memref<10000x32xf32, #tpu.memory_space<hbm>>
      %dma_start3A_10 = arith.constant 0 : i32
      %dma_start3A_11 = tpu.memref_slice %dma_start3A_9[%mul3A_0, %dma_start3A_10] : memref<10000x32xf32, #tpu.memory_space<hbm>> -> memref<640x32xf32, #tpu.memory_space<hbm>>
      %dma_start3A_12 = arith.constant 0 : i32
      %dma_start3A_13 = arith.constant 0 : i32
      %dma_start3A_14 = tpu.memref_slice %arg3[%arg0, %dma_start3A_12, %dma_start3A_13] : memref<2x10000x32xf32, #tpu.memory_space<hbm>> -> memref<1x10000x32xf32, #tpu.memory_space<hbm>>
      %dma_start3A_15 = tpu.memref_squeeze %dma_start3A_14 : memref<1x10000x32xf32, #tpu.memory_space<hbm>> -> memref<10000x32xf32, #tpu.memory_space<hbm>>
      %dma_start3A_16 = arith.constant 0 : i32
      %dma_start3A_17 = tpu.memref_slice %dma_start3A_15[%mul3A_0, %dma_start3A_16] : memref<10000x32xf32, #tpu.memory_space<hbm>> -> memref<640x32xf32, #tpu.memory_space<hbm>>
      tpu.enqueue_dma source(%dma_start3A_17 : memref<640x32xf32, #tpu.memory_space<hbm>>) target(%arg10 : memref<640x32xf32, #tpu.memory_space<vmem>>) target_semaphore(%run_scoped3A : memref<!tpu.dma_semaphore, #tpu.memory_space<semaphore_mem>>)
      %dma_wait3A = arith.constant 0 : i32
      %dma_wait3A_18 = arith.constant 0 : i32
      %dma_wait3A_19 = tpu.memref_slice %arg3[%arg0, %dma_wait3A, %dma_wait3A_18] : memref<2x10000x32xf32, #tpu.memory_space<hbm>> -> memref<1x10000x32xf32, #tpu.memory_space<hbm>>
      %dma_wait3A_20 = tpu.memref_squeeze %dma_wait3A_19 : memref<1x10000x32xf32, #tpu.memory_space<hbm>> -> memref<10000x32xf32, #tpu.memory_space<hbm>>
      %dma_wait3A_21 = arith.constant 0 : i32
      %dma_wait3A_22 = tpu.memref_slice %dma_wait3A_20[%mul3A_0, %dma_wait3A_21] : memref<10000x32xf32, #tpu.memory_space<hbm>> -> memref<640x32xf32, #tpu.memory_space<hbm>>
      %dma_wait3A_23 = arith.constant 0 : i32
      %dma_wait3A_24 = arith.constant 0 : i32
      %dma_wait3A_25 = tpu.memref_slice %arg3[%arg0, %dma_wait3A_23, %dma_wait3A_24] : memref<2x10000x32xf32, #tpu.memory_space<hbm>> -> memref<1x10000x32xf32, #tpu.memory_space<hbm>>
      %dma_wait3A_26 = tpu.memref_squeeze %dma_wait3A_25 : memref<1x10000x32xf32, #tpu.memory_space<hbm>> -> memref<10000x32xf32, #tpu.memory_space<hbm>>
      %dma_wait3A_27 = arith.constant 0 : i32
      %dma_wait3A_28 = tpu.memref_slice %dma_wait3A_26[%mul3A_0, %dma_wait3A_27] : memref<10000x32xf32, #tpu.memory_space<hbm>> -> memref<640x32xf32, #tpu.memory_space<hbm>>
      tpu.wait_dma2 semaphore(%run_scoped3A : memref<!tpu.dma_semaphore, #tpu.memory_space<semaphore_mem>>) src(%dma_wait3A_28 : memref<640x32xf32, #tpu.memory_space<hbm>>) dst(%arg10 : memref<640x32xf32, #tpu.memory_space<vmem>>)
      tpu.yield
    }) : () -> ()
    "tpu.region"() ({
      %run_scoped3A = tpu.sem_alloc : memref<!tpu.dma_semaphore, #tpu.memory_space<semaphore_mem>>
      %dma_start3A = arith.constant 0 : i32
      %dma_start3A_7 = tpu.memref_slice %arg11[%mul3A_0, %dma_start3A] : memref<10016x32xf32, #tpu.memory_space<vmem_shared>> -> memref<640x32xf32, #tpu.memory_space<vmem_shared>>
      %dma_start3A_8 = arith.constant 0 : i32
      %dma_start3A_9 = tpu.memref_slice %arg11[%mul3A_0, %dma_start3A_8] : memref<10016x32xf32, #tpu.memory_space<vmem_shared>> -> memref<640x32xf32, #tpu.memory_space<vmem_shared>>
      tpu.enqueue_dma source(%arg10 : memref<640x32xf32, #tpu.memory_space<vmem>>) target(%dma_start3A_9 : memref<640x32xf32, #tpu.memory_space<vmem_shared>>) target_semaphore(%run_scoped3A : memref<!tpu.dma_semaphore, #tpu.memory_space<semaphore_mem>>)
      %dma_wait3A = arith.constant 0 : i32
      %dma_wait3A_10 = tpu.memref_slice %arg11[%mul3A_0, %dma_wait3A] : memref<10016x32xf32, #tpu.memory_space<vmem_shared>> -> memref<640x32xf32, #tpu.memory_space<vmem_shared>>
      %dma_wait3A_11 = arith.constant 0 : i32
      %dma_wait3A_12 = tpu.memref_slice %arg11[%mul3A_0, %dma_wait3A_11] : memref<10016x32xf32, #tpu.memory_space<vmem_shared>> -> memref<640x32xf32, #tpu.memory_space<vmem_shared>>
      tpu.wait_dma2 semaphore(%run_scoped3A : memref<!tpu.dma_semaphore, #tpu.memory_space<semaphore_mem>>) src(%arg10 : memref<640x32xf32, #tpu.memory_space<vmem>>) dst(%dma_wait3A_12 : memref<640x32xf32, #tpu.memory_space<vmem_shared>>)
      tpu.yield
    }) : () -> ()
    %barrier3A = arith.constant 0 : index
    tpu.barrier barrier_id(%barrier3A)
    %scan3A = arith.constant 0 : i32
    %scan3A_1 = arith.constant 0 : i32
    %scan3A_2 = arith.constant 157 : i32
    %scan3A_3 = arith.addi %scan3A_1, %scan3A_2 : i32
    %scan3A_4 = arith.constant 1 : i32
    scf.for %scan3A_7 = %scan3A_1 to %scan3A_3 step %scan3A_4  : i32 {
      %dma_start3A = arith.constant 0 : i32
      %dma_start3A_8 = tpu.memref_slice %arg7[%scan3A_7, %dma_start3A] : memref<157x128xi32, #tpu.memory_space<vmem>> -> memref<1x128xi32, #tpu.memory_space<vmem>>
      %dma_start3A_9 = tpu.memref_squeeze %dma_start3A_8 : memref<1x128xi32, #tpu.memory_space<vmem>> -> memref<128xi32, #tpu.memory_space<vmem>>
      %dma_start3A_10 = arith.constant 0 : i32
      %dma_start3A_11 = arith.constant 0 : i32
      %dma_start3A_12 = tpu.memref_slice %arg2[%arg0, %dma_start3A_10, %dma_start3A_11] : memref<2x10000x32xf32, #tpu.memory_space<hbm>> -> memref<1x10000x32xf32, #tpu.memory_space<hbm>>
      %dma_start3A_13 = tpu.memref_squeeze %dma_start3A_12 : memref<1x10000x32xf32, #tpu.memory_space<hbm>> -> memref<10000x32xf32, #tpu.memory_space<hbm>>
      %dma_start3A_14 = arith.constant 0 : i32
      %dma_start3A_15 = arith.constant 0 : i32
      %dma_start3A_16 = tpu.memref_slice %dma_start3A_13[%dma_start3A_14, %dma_start3A_15] : memref<10000x32xf32, #tpu.memory_space<hbm>> -> memref<10000x32xf32, #tpu.memory_space<hbm>>
      tpu.enqueue_indirect_dma source(%dma_start3A_16 : memref<10000x32xf32, #tpu.memory_space<hbm>>) target(%arg9 : memref<128x32xf32, #tpu.memory_space<vmem>>) offsets(%dma_start3A_9 : memref<128xi32, #tpu.memory_space<vmem>>) semaphore(%arg12 : memref<!tpu.dma_semaphore, #tpu.memory_space<semaphore_mem>>)
      %dma_wait3A = arith.constant 0 : i32
      %dma_wait3A_17 = tpu.memref_slice %arg7[%scan3A_7, %dma_wait3A] : memref<157x128xi32, #tpu.memory_space<vmem>> -> memref<1x128xi32, #tpu.memory_space<vmem>>
      %dma_wait3A_18 = tpu.memref_squeeze %dma_wait3A_17 : memref<1x128xi32, #tpu.memory_space<vmem>> -> memref<128xi32, #tpu.memory_space<vmem>>
      %dma_wait3A_19 = arith.constant 0 : i32
      %dma_wait3A_20 = arith.constant 0 : i32
      %dma_wait3A_21 = tpu.memref_slice %arg2[%arg0, %dma_wait3A_19, %dma_wait3A_20] : memref<2x10000x32xf32, #tpu.memory_space<hbm>> -> memref<1x10000x32xf32, #tpu.memory_space<hbm>>
      %dma_wait3A_22 = tpu.memref_squeeze %dma_wait3A_21 : memref<1x10000x32xf32, #tpu.memory_space<hbm>> -> memref<10000x32xf32, #tpu.memory_space<hbm>>
      %dma_wait3A_23 = arith.constant 0 : i32
      %dma_wait3A_24 = arith.constant 0 : i32
      %dma_wait3A_25 = tpu.memref_slice %dma_wait3A_22[%dma_wait3A_23, %dma_wait3A_24] : memref<10000x32xf32, #tpu.memory_space<hbm>> -> memref<10000x32xf32, #tpu.memory_space<hbm>>
      tpu.wait_indirect_dma semaphore(%arg12 : memref<!tpu.dma_semaphore, #tpu.memory_space<semaphore_mem>>) src(%dma_wait3A_25 : memref<10000x32xf32, #tpu.memory_space<hbm>>) dst(%arg9 : memref<128x32xf32, #tpu.memory_space<vmem>>)
      "tpu.region"() ({
        %run_scoped3A = tpu.sem_alloc : memref<!tpu.dma_semaphore, #tpu.memory_space<semaphore_mem>>
        %dma_start3A_26 = arith.constant 0 : i32
        %dma_start3A_27 = tpu.memref_slice %arg8[%scan3A_7, %dma_start3A_26] : memref<157x128xi32, #tpu.memory_space<vmem>> -> memref<1x128xi32, #tpu.memory_space<vmem>>
        %dma_start3A_28 = tpu.memref_squeeze %dma_start3A_27 : memref<1x128xi32, #tpu.memory_space<vmem>> -> memref<128xi32, #tpu.memory_space<vmem>>
        %dma_start3A_29 = arith.constant 0 : i32
        %dma_start3A_30 = arith.constant 0 : i32
        %dma_start3A_31 = tpu.memref_slice %arg11[%dma_start3A_29, %dma_start3A_30] : memref<10016x32xf32, #tpu.memory_space<vmem_shared>> -> memref<10016x32xf32, #tpu.memory_space<vmem_shared>>
        tpu.enqueue_indirect_dma source(%arg9 : memref<128x32xf32, #tpu.memory_space<vmem>>) target(%dma_start3A_31 : memref<10016x32xf32, #tpu.memory_space<vmem_shared>>) offsets(%dma_start3A_28 : memref<128xi32, #tpu.memory_space<vmem>>) semaphore(%run_scoped3A : memref<!tpu.dma_semaphore, #tpu.memory_space<semaphore_mem>>) {add = true}
        %dma_wait3A_32 = arith.constant 0 : i32
        %dma_wait3A_33 = tpu.memref_slice %arg8[%scan3A_7, %dma_wait3A_32] : memref<157x128xi32, #tpu.memory_space<vmem>> -> memref<1x128xi32, #tpu.memory_space<vmem>>
        %dma_wait3A_34 = tpu.memref_squeeze %dma_wait3A_33 : memref<1x128xi32, #tpu.memory_space<vmem>> -> memref<128xi32, #tpu.memory_space<vmem>>
        %dma_wait3A_35 = arith.constant 0 : i32
        %dma_wait3A_36 = arith.constant 0 : i32
        %dma_wait3A_37 = tpu.memref_slice %arg11[%dma_wait3A_35, %dma_wait3A_36] : memref<10016x32xf32, #tpu.memory_space<vmem_shared>> -> memref<10016x32xf32, #tpu.memory_space<vmem_shared>>
        tpu.wait_indirect_dma semaphore(%run_scoped3A : memref<!tpu.dma_semaphore, #tpu.memory_space<semaphore_mem>>) src(%arg9 : memref<128x32xf32, #tpu.memory_space<vmem>>) dst(%dma_wait3A_37 : memref<10016x32xf32, #tpu.memory_space<vmem_shared>>)
        tpu.yield
      }) : () -> ()
    }
    %scan3A_5 = arith.constant 157 : i32
    %barrier3A_6 = arith.constant 0 : index
    tpu.barrier barrier_id(%barrier3A_6)
    "tpu.region"() ({
      %run_scoped3A = tpu.sem_alloc : memref<!tpu.dma_semaphore, #tpu.memory_space<semaphore_mem>>
      %dma_start3A = arith.constant 0 : i32
      %dma_start3A_7 = tpu.memref_slice %arg11[%mul3A_0, %dma_start3A] : memref<10016x32xf32, #tpu.memory_space<vmem_shared>> -> memref<640x32xf32, #tpu.memory_space<vmem_shared>>
      %dma_start3A_8 = arith.constant 0 : i32
      %dma_start3A_9 = tpu.memref_slice %arg11[%mul3A_0, %dma_start3A_8] : memref<10016x32xf32, #tpu.memory_space<vmem_shared>> -> memref<640x32xf32, #tpu.memory_space<vmem_shared>>
      tpu.enqueue_dma source(%dma_start3A_9 : memref<640x32xf32, #tpu.memory_space<vmem_shared>>) target(%arg10 : memref<640x32xf32, #tpu.memory_space<vmem>>) target_semaphore(%run_scoped3A : memref<!tpu.dma_semaphore, #tpu.memory_space<semaphore_mem>>)
      %dma_wait3A = arith.constant 0 : i32
      %dma_wait3A_10 = tpu.memref_slice %arg11[%mul3A_0, %dma_wait3A] : memref<10016x32xf32, #tpu.memory_space<vmem_shared>> -> memref<640x32xf32, #tpu.memory_space<vmem_shared>>
      %dma_wait3A_11 = arith.constant 0 : i32
      %dma_wait3A_12 = tpu.memref_slice %arg11[%mul3A_0, %dma_wait3A_11] : memref<10016x32xf32, #tpu.memory_space<vmem_shared>> -> memref<640x32xf32, #tpu.memory_space<vmem_shared>>
      tpu.wait_dma2 semaphore(%run_scoped3A : memref<!tpu.dma_semaphore, #tpu.memory_space<semaphore_mem>>) src(%dma_wait3A_12 : memref<640x32xf32, #tpu.memory_space<vmem_shared>>) dst(%arg10 : memref<640x32xf32, #tpu.memory_space<vmem>>)
      tpu.yield
    }) : () -> ()
    "tpu.region"() ({
      %run_scoped3A = tpu.sem_alloc : memref<!tpu.dma_semaphore, #tpu.memory_space<semaphore_mem>>
      %dma_start3A = arith.constant 0 : i32
      %dma_start3A_7 = arith.constant 0 : i32
      %dma_start3A_8 = tpu.memref_slice %arg6[%arg0, %dma_start3A, %dma_start3A_7] : memref<2x10000x32xf32, #tpu.memory_space<hbm>> -> memref<1x10000x32xf32, #tpu.memory_space<hbm>>
      %dma_start3A_9 = tpu.memref_squeeze %dma_start3A_8 : memref<1x10000x32xf32, #tpu.memory_space<hbm>> -> memref<10000x32xf32, #tpu.memory_space<hbm>>
      %dma_start3A_10 = arith.constant 0 : i32
      %dma_start3A_11 = tpu.memref_slice %dma_start3A_9[%mul3A_0, %dma_start3A_10] : memref<10000x32xf32, #tpu.memory_space<hbm>> -> memref<640x32xf32, #tpu.memory_space<hbm>>
      %dma_start3A_12 = arith.constant 0 : i32
      %dma_start3A_13 = arith.constant 0 : i32
      %dma_start3A_14 = tpu.memref_slice %arg6[%arg0, %dma_start3A_12, %dma_start3A_13] : memref<2x10000x32xf32, #tpu.memory_space<hbm>> -> memref<1x10000x32xf32, #tpu.memory_space<hbm>>
      %dma_start3A_15 = tpu.memref_squeeze %dma_start3A_14 : memref<1x10000x32xf32, #tpu.memory_space<hbm>> -> memref<10000x32xf32, #tpu.memory_space<hbm>>
      %dma_start3A_16 = arith.constant 0 : i32
      %dma_start3A_17 = tpu.memref_slice %dma_start3A_15[%mul3A_0, %dma_start3A_16] : memref<10000x32xf32, #tpu.memory_space<hbm>> -> memref<640x32xf32, #tpu.memory_space<hbm>>
      tpu.enqueue_dma source(%arg10 : memref<640x32xf32, #tpu.memory_space<vmem>>) target(%dma_start3A_17 : memref<640x32xf32, #tpu.memory_space<hbm>>) target_semaphore(%run_scoped3A : memref<!tpu.dma_semaphore, #tpu.memory_space<semaphore_mem>>)
      %dma_wait3A = arith.constant 0 : i32
      %dma_wait3A_18 = arith.constant 0 : i32
      %dma_wait3A_19 = tpu.memref_slice %arg6[%arg0, %dma_wait3A, %dma_wait3A_18] : memref<2x10000x32xf32, #tpu.memory_space<hbm>> -> memref<1x10000x32xf32, #tpu.memory_space<hbm>>
      %dma_wait3A_20 = tpu.memref_squeeze %dma_wait3A_19 : memref<1x10000x32xf32, #tpu.memory_space<hbm>> -> memref<10000x32xf32, #tpu.memory_space<hbm>>
      %dma_wait3A_21 = arith.constant 0 : i32
      %dma_wait3A_22 = tpu.memref_slice %dma_wait3A_20[%mul3A_0, %dma_wait3A_21] : memref<10000x32xf32, #tpu.memory_space<hbm>> -> memref<640x32xf32, #tpu.memory_space<hbm>>
      %dma_wait3A_23 = arith.constant 0 : i32
      %dma_wait3A_24 = arith.constant 0 : i32
      %dma_wait3A_25 = tpu.memref_slice %arg6[%arg0, %dma_wait3A_23, %dma_wait3A_24] : memref<2x10000x32xf32, #tpu.memory_space<hbm>> -> memref<1x10000x32xf32, #tpu.memory_space<hbm>>
      %dma_wait3A_26 = tpu.memref_squeeze %dma_wait3A_25 : memref<1x10000x32xf32, #tpu.memory_space<hbm>> -> memref<10000x32xf32, #tpu.memory_space<hbm>>
      %dma_wait3A_27 = arith.constant 0 : i32
      %dma_wait3A_28 = tpu.memref_slice %dma_wait3A_26[%mul3A_0, %dma_wait3A_27] : memref<10000x32xf32, #tpu.memory_space<hbm>> -> memref<640x32xf32, #tpu.memory_space<hbm>>
      tpu.wait_dma2 semaphore(%run_scoped3A : memref<!tpu.dma_semaphore, #tpu.memory_space<semaphore_mem>>) src(%arg10 : memref<640x32xf32, #tpu.memory_space<vmem>>) dst(%dma_wait3A_28 : memref<640x32xf32, #tpu.memory_space<hbm>>)
      tpu.yield
    }) : () -> ()
    return
  }
}

module attributes {stable_mosaic.version = 14 : i64} {
  func.func @_mm_bias_body(%arg0: memref<10000x128xf32, #tpu.memory_space<vmem>>, %arg1: memref<128x128xf32, #tpu.memory_space<vmem>>, %arg2: memref<1x128xf32, #tpu.memory_space<vmem>>, %arg3: memref<2x10000x64xf32, #tpu.memory_space<vmem>>, %arg4: memref<2x10000x64xf32, #tpu.memory_space<vmem>>) attributes {dimension_semantics = [], scalar_prefetch = 0 : i64, scratch_operands = 0 : i64, tpu.core_type = #tpu.core_type<tc>} {
    %get3A = arith.constant 0 : index
    %get3A_0 = arith.constant 0 : index
    %get3A_1 = vector.load %arg0[%get3A, %get3A_0] : memref<10000x128xf32, #tpu.memory_space<vmem>>, vector<10000x128xf32>
    %get3A_2 = arith.constant 0 : index
    %get3A_3 = arith.constant 0 : index
    %get3A_4 = vector.load %arg1[%get3A_2, %get3A_3] : memref<128x128xf32, #tpu.memory_space<vmem>>, vector<128x128xf32>
    %dot_general3A = arith.constant dense<0.000000e+00> : vector<10000x128xf32>
    %dot_general3A_5 = tpu.matmul %get3A_1, %get3A_4, %dot_general3A {dimension_numbers = #tpu.dot_dimension_numbers<[1], [0], [0], [1], [0, 0, 1, 1], [], []>, transpose_lhs_hint = false} : vector<10000x128xf32>, vector<128x128xf32>, vector<10000x128xf32> -> vector<10000x128xf32>
    %get3A_6 = arith.constant 0 : index
    %get3A_7 = arith.constant 0 : index
    %get3A_8 = vector.load %arg2[%get3A_6, %get3A_7] : memref<1x128xf32, #tpu.memory_space<vmem>>, vector<1x128xf32>
    %add3A = vector.broadcast %get3A_8 : vector<1x128xf32> to vector<10000x128xf32>
    %add3A_9 = arith.addf %dot_general3A_5, %add3A : vector<10000x128xf32>
    %slice3A = vector.extract_strided_slice %dot_general3A_5 {offsets = [0, 0], sizes = [10000, 64], strides = [1, 1]} : vector<10000x128xf32> to vector<10000x64xf32>
    %swap3A = arith.constant 0 : index
    %swap3A_10 = arith.constant 0 : index
    %swap3A_11 = arith.constant 0 : index
    %swap3A_12 = vector.load %arg3[%swap3A, %swap3A_10, %swap3A_11] : memref<2x10000x64xf32, #tpu.memory_space<vmem>>, vector<1x10000x64xf32>
    %swap3A_13 = vector.shape_cast %swap3A_12 : vector<1x10000x64xf32> to vector<10000x64xf32>
    %swap3A_14 = vector.shape_cast %slice3A : vector<10000x64xf32> to vector<1x10000x64xf32>
    tpu.vector_store %arg3[%swap3A, %swap3A_10, %swap3A_11], %swap3A_14 {strides = array<i32>} : memref<2x10000x64xf32, #tpu.memory_space<vmem>>, vector<1x10000x64xf32>,
    %slice3A_15 = vector.extract_strided_slice %dot_general3A_5 {offsets = [0, 64], sizes = [10000, 64], strides = [1, 1]} : vector<10000x128xf32> to vector<10000x64xf32>
    %swap3A_16 = arith.constant 1 : index
    %swap3A_17 = arith.constant 0 : index
    %swap3A_18 = arith.constant 0 : index
    %swap3A_19 = vector.load %arg3[%swap3A_16, %swap3A_17, %swap3A_18] : memref<2x10000x64xf32, #tpu.memory_space<vmem>>, vector<1x10000x64xf32>
    %swap3A_20 = vector.shape_cast %swap3A_19 : vector<1x10000x64xf32> to vector<10000x64xf32>
    %swap3A_21 = vector.shape_cast %slice3A_15 : vector<10000x64xf32> to vector<1x10000x64xf32>
    tpu.vector_store %arg3[%swap3A_16, %swap3A_17, %swap3A_18], %swap3A_21 {strides = array<i32>} : memref<2x10000x64xf32, #tpu.memory_space<vmem>>, vector<1x10000x64xf32>,
    %slice3A_22 = vector.extract_strided_slice %add3A_9 {offsets = [0, 0], sizes = [10000, 64], strides = [1, 1]} : vector<10000x128xf32> to vector<10000x64xf32>
    %swap3A_23 = arith.constant 0 : index
    %swap3A_24 = arith.constant 0 : index
    %swap3A_25 = arith.constant 0 : index
    %swap3A_26 = vector.load %arg4[%swap3A_23, %swap3A_24, %swap3A_25] : memref<2x10000x64xf32, #tpu.memory_space<vmem>>, vector<1x10000x64xf32>
    %swap3A_27 = vector.shape_cast %swap3A_26 : vector<1x10000x64xf32> to vector<10000x64xf32>
    %swap3A_28 = vector.shape_cast %slice3A_22 : vector<10000x64xf32> to vector<1x10000x64xf32>
    tpu.vector_store %arg4[%swap3A_23, %swap3A_24, %swap3A_25], %swap3A_28 {strides = array<i32>} : memref<2x10000x64xf32, #tpu.memory_space<vmem>>, vector<1x10000x64xf32>,
    %slice3A_29 = vector.extract_strided_slice %add3A_9 {offsets = [0, 64], sizes = [10000, 64], strides = [1, 1]} : vector<10000x128xf32> to vector<10000x64xf32>
    %swap3A_30 = arith.constant 1 : index
    %swap3A_31 = arith.constant 0 : index
    %swap3A_32 = arith.constant 0 : index
    %swap3A_33 = vector.load %arg4[%swap3A_30, %swap3A_31, %swap3A_32] : memref<2x10000x64xf32, #tpu.memory_space<vmem>>, vector<1x10000x64xf32>
    %swap3A_34 = vector.shape_cast %swap3A_33 : vector<1x10000x64xf32> to vector<10000x64xf32>
    %swap3A_35 = vector.shape_cast %slice3A_29 : vector<10000x64xf32> to vector<1x10000x64xf32>
    tpu.vector_store %arg4[%swap3A_30, %swap3A_31, %swap3A_32], %swap3A_35 {strides = array<i32>} : memref<2x10000x64xf32, #tpu.memory_space<vmem>>, vector<1x10000x64xf32>,
    return
  }
}

module attributes {stable_mosaic.version = 14 : i64} {
  func.func @_mlp_body(%arg0: memref<2x10000x64xf32, #tpu.memory_space<vmem>>, %arg1: memref<128x128xf32, #tpu.memory_space<vmem>>, %arg2: memref<1x128xf32, #tpu.memory_space<vmem>>, %arg3: memref<128x64xf32, #tpu.memory_space<vmem>>, %arg4: memref<1x64xf32, #tpu.memory_space<vmem>>, %arg5: memref<2x10000x32xf32, #tpu.memory_space<vmem>>, %arg6: memref<2x10000x32xf32, #tpu.memory_space<vmem>>) attributes {dimension_semantics = [], scalar_prefetch = 0 : i64, scratch_operands = 0 : i64, tpu.core_type = #tpu.core_type<tc>} {
    %get3A = arith.constant 0 : index
    %get3A_0 = arith.constant 0 : index
    %get3A_1 = arith.constant 0 : index
    %get3A_2 = vector.load %arg0[%get3A, %get3A_0, %get3A_1] : memref<2x10000x64xf32, #tpu.memory_space<vmem>>, vector<1x10000x64xf32>
    %get3A_3 = vector.shape_cast %get3A_2 : vector<1x10000x64xf32> to vector<10000x64xf32>
    %get3A_4 = arith.constant 1 : index
    %get3A_5 = arith.constant 0 : index
    %get3A_6 = arith.constant 0 : index
    %get3A_7 = vector.load %arg0[%get3A_4, %get3A_5, %get3A_6] : memref<2x10000x64xf32, #tpu.memory_space<vmem>>, vector<1x10000x64xf32>
    %get3A_8 = vector.shape_cast %get3A_7 : vector<1x10000x64xf32> to vector<10000x64xf32>
    %concatenate3A = tpu.concatenate %get3A_3, %get3A_8 in 1 : vector<10000x64xf32>, vector<10000x64xf32> -> vector<10000x128xf32>
    %max3A = arith.constant 0.000000e+00 : f32
    %max3A_9 = vector.broadcast %max3A : f32 to vector<10000x128xf32>
    %max3A_10 = arith.maximumf %concatenate3A, %max3A_9 : vector<10000x128xf32>
    %get3A_11 = arith.constant 0 : index
    %get3A_12 = arith.constant 0 : index
    %get3A_13 = vector.load %arg1[%get3A_11, %get3A_12] : memref<128x128xf32, #tpu.memory_space<vmem>>, vector<128x128xf32>
    %dot_general3A = arith.constant dense<0.000000e+00> : vector<10000x128xf32>
    %dot_general3A_14 = tpu.matmul %max3A_10, %get3A_13, %dot_general3A {dimension_numbers = #tpu.dot_dimension_numbers<[1], [0], [0], [1], [0, 0, 1, 1], [], []>, transpose_lhs_hint = false} : vector<10000x128xf32>, vector<128x128xf32>, vector<10000x128xf32> -> vector<10000x128xf32>
    %get3A_15 = arith.constant 0 : index
    %get3A_16 = arith.constant 0 : index
    %get3A_17 = vector.load %arg2[%get3A_15, %get3A_16] : memref<1x128xf32, #tpu.memory_space<vmem>>, vector<1x128xf32>
    %add3A = vector.broadcast %get3A_17 : vector<1x128xf32> to vector<10000x128xf32>
    %add3A_18 = arith.addf %dot_general3A_14, %add3A : vector<10000x128xf32>
    %max3A_19 = arith.constant 0.000000e+00 : f32
    %max3A_20 = vector.broadcast %max3A_19 : f32 to vector<10000x128xf32>
    %max3A_21 = arith.maximumf %add3A_18, %max3A_20 : vector<10000x128xf32>
    %get3A_22 = arith.constant 0 : index
    %get3A_23 = arith.constant 0 : index
    %get3A_24 = vector.load %arg3[%get3A_22, %get3A_23] : memref<128x64xf32, #tpu.memory_space<vmem>>, vector<128x64xf32>
    %dot_general3A_25 = arith.constant dense<0.000000e+00> : vector<10000x64xf32>
    %dot_general3A_26 = tpu.matmul %max3A_21, %get3A_24, %dot_general3A_25 {dimension_numbers = #tpu.dot_dimension_numbers<[1], [0], [0], [1], [0, 0, 1, 1], [], []>, transpose_lhs_hint = false} : vector<10000x128xf32>, vector<128x64xf32>, vector<10000x64xf32> -> vector<10000x64xf32>
    %get3A_27 = arith.constant 0 : index
    %get3A_28 = arith.constant 0 : index
    %get3A_29 = vector.load %arg4[%get3A_27, %get3A_28] : memref<1x64xf32, #tpu.memory_space<vmem>>, vector<1x64xf32>
    %add3A_30 = vector.broadcast %get3A_29 : vector<1x64xf32> to vector<10000x64xf32>
    %add3A_31 = arith.addf %dot_general3A_26, %add3A_30 : vector<10000x64xf32>
    %slice3A = vector.extract_strided_slice %dot_general3A_26 {offsets = [0, 0], sizes = [10000, 32], strides = [1, 1]} : vector<10000x64xf32> to vector<10000x32xf32>
    %swap3A = arith.constant 0 : index
    %swap3A_32 = arith.constant 0 : index
    %swap3A_33 = arith.constant 0 : index
    %swap3A_34 = vector.load %arg5[%swap3A, %swap3A_32, %swap3A_33] : memref<2x10000x32xf32, #tpu.memory_space<vmem>>, vector<1x10000x32xf32>
    %swap3A_35 = vector.shape_cast %swap3A_34 : vector<1x10000x32xf32> to vector<10000x32xf32>
    %swap3A_36 = vector.shape_cast %slice3A : vector<10000x32xf32> to vector<1x10000x32xf32>
    tpu.vector_store %arg5[%swap3A, %swap3A_32, %swap3A_33], %swap3A_36 {strides = array<i32>} : memref<2x10000x32xf32, #tpu.memory_space<vmem>>, vector<1x10000x32xf32>,
    %slice3A_37 = vector.extract_strided_slice %dot_general3A_26 {offsets = [0, 32], sizes = [10000, 32], strides = [1, 1]} : vector<10000x64xf32> to vector<10000x32xf32>
    %swap3A_38 = arith.constant 1 : index
    %swap3A_39 = arith.constant 0 : index
    %swap3A_40 = arith.constant 0 : index
    %swap3A_41 = vector.load %arg5[%swap3A_38, %swap3A_39, %swap3A_40] : memref<2x10000x32xf32, #tpu.memory_space<vmem>>, vector<1x10000x32xf32>
    %swap3A_42 = vector.shape_cast %swap3A_41 : vector<1x10000x32xf32> to vector<10000x32xf32>
    %swap3A_43 = vector.shape_cast %slice3A_37 : vector<10000x32xf32> to vector<1x10000x32xf32>
    tpu.vector_store %arg5[%swap3A_38, %swap3A_39, %swap3A_40], %swap3A_43 {strides = array<i32>} : memref<2x10000x32xf32, #tpu.memory_space<vmem>>, vector<1x10000x32xf32>,
    %slice3A_44 = vector.extract_strided_slice %add3A_31 {offsets = [0, 0], sizes = [10000, 32], strides = [1, 1]} : vector<10000x64xf32> to vector<10000x32xf32>
    %swap3A_45 = arith.constant 0 : index
    %swap3A_46 = arith.constant 0 : index
    %swap3A_47 = arith.constant 0 : index
    %swap3A_48 = vector.load %arg6[%swap3A_45, %swap3A_46, %swap3A_47] : memref<2x10000x32xf32, #tpu.memory_space<vmem>>, vector<1x10000x32xf32>
    %swap3A_49 = vector.shape_cast %swap3A_48 : vector<1x10000x32xf32> to vector<10000x32xf32>
    %swap3A_50 = vector.shape_cast %slice3A_44 : vector<10000x32xf32> to vector<1x10000x32xf32>
    tpu.vector_store %arg6[%swap3A_45, %swap3A_46, %swap3A_47], %swap3A_50 {strides = array<i32>} : memref<2x10000x32xf32, #tpu.memory_space<vmem>>, vector<1x10000x32xf32>,
    %slice3A_51 = vector.extract_strided_slice %add3A_31 {offsets = [0, 32], sizes = [10000, 32], strides = [1, 1]} : vector<10000x64xf32> to vector<10000x32xf32>
    %swap3A_52 = arith.constant 1 : index
    %swap3A_53 = arith.constant 0 : index
    %swap3A_54 = arith.constant 0 : index
    %swap3A_55 = vector.load %arg6[%swap3A_52, %swap3A_53, %swap3A_54] : memref<2x10000x32xf32, #tpu.memory_space<vmem>>, vector<1x10000x32xf32>
    %swap3A_56 = vector.shape_cast %swap3A_55 : vector<1x10000x32xf32> to vector<10000x32xf32>
    %swap3A_57 = vector.shape_cast %slice3A_51 : vector<10000x32xf32> to vector<1x10000x32xf32>
    tpu.vector_store %arg6[%swap3A_52, %swap3A_53, %swap3A_54], %swap3A_57 {strides = array<i32>} : memref<2x10000x32xf32, #tpu.memory_space<vmem>>, vector<1x10000x32xf32>,
    return
  }
}

</mosaic_0001>

<sc_bundles>
// kernel: kernel.6.cloned.1.call-start
scs
__scs_entry_jumppad:
0x0: {  	(pc) =	sbr.rel $0x88, $3  }
0x1: {  	(tag) =	ssettag $0x0;
	lr =	simm.s32 $0x1  }
0x2: {  	[smem:$0x3F99] =	sst lr;
	_ =	strace $0xD0000000  }
0x3: {  	_ = 	snop  }
0x4: {  	_ = 	snop  }
0x5: {  	_ = 	snop  }
0x6: {  	_ = 	snop  }
0x7: {  	_ = 	snop  }
__scs_overlays_trampoline_lowered:
0x8: {  	[smem:$0x3FA8] =	sst s0  }
0x9: {  	[smem:$0x3FA9] =	sst s1  }
0xa: {  	[smem:$0x3FAA] =	sst s2  }
0xb: {  	[smem:$0x3FAB] =	sst s3  }
0xc: {  	[smem:$0x3FAC] =	sst s4  }
0xd: {  	[smem:$0x3FAD] =	sst s5  }
0xe: {  	[smem:$0x3FAE] =	sst s6  }
0xf: {  	[smem:$0x3FAF] =	sst s7  }
0x10: {  	[smem:$0x3FB0] =	sst s8  }
0x11: {  	[smem:$0x3FB1] =	sst s9;
	s0 =	simm.s32 @!p0 $0x0  }
0x12: {  	s1 =	sld [smem:$0x3F97];
	s0 =	simm.s32 @p0 $0x1  }
0x13: {  	[smem:$0x3FB2] =	sst s0;
	s0 =	simm.s32 @!p1 $0x0  }
0x14: {  	s2 =	sld [smem:$0x3F96];
	s0 =	simm.s32 @p1 $0x1  }
0x15: {  	[smem:$0x3FB3] =	sst s0;
	s0 =	simm.s32 @!p2 $0x0  }
0x16: {  	s3 =	sld [smem:$0x3FDB];
	s0 =	simm.s32 @p2 $0x1  }
0x17: {  	s4 =	simm.s32 $0x1BF5;
	[smem:$0x3FB5] =	sst s0  }
0x18: {  	s0 =	sld [smem:$0x3F98];
	_ =	swait.ge [sflag:s4], $0x0  }
0x19: {  	s7 =	sld [smem:$0x3F99]  }
0x1a: {  	s8 =	sadd.s32 $0xFFFFE003, lr  }
0x1b: {  	s9 =	sadd.s32 $0xFFFFFEF7, lr;
	s5 =	simm.s32 $0xFFFFFFFF;
	p2 =	slt.u32 s8, $0xFFFFF086  }
0x1c: {  	p1 =	slt.u32 s9, $0xF7A;
	s5 =	simm.s32 @!p2 $0x0  }
0x1d: {  	s5 =	simm.s32 @p1 $0x1;
	p0 =	seq.s32 s7, s2  }
0x1e: {  	s7 =	smul.u32 @!p0 $0xF7A, s2;
	p2 =	seq.s32 @!p0 s5, $0x0  }
0x1f: {  	s9 =	smul.u32 $0xF7A, s1;
	s8 =	simm.s32 @!p0 $0x1BF5;
	p2 =	por !p2, p0  }
0x20: {  	[sflag:s8] =	ssyncset.s32 @!p0 $0xFFFFF086;
	s6 =	sadd.s32 @!p0 s3, s7;
	s7 =	simm.s32 @!p0 $0x108  }
0x21: {  	s3 =	sadd.s32 s3, s9;
	s6 =	sadd.s32 @!p0 $0x88, s6;
	s7 =	simm.s32 @p2 $0x1082  }
0x22: {  	[simem:s7], [sflag:s8] =	dma.local @!p0 [hbm:s6], $0xF7A  }
0x23: {  	s9 =	sor.u32 $0xD0000000, s2;
	s6 =	simm.s32 $0x108;
	_ =	swait.ge @!p0 [sflag:s8], $0x0  }
0x24: {  	s3 =	sadd.s32 $0x88, s3;
	s6 =	simm.s32 @!p1 $0x1082;
	[sflag:s4] =	ssyncset.s32 $0xFFFFF086  }
0x25: {  	[simem:s6], [sflag:s4] =	dma.local [hbm:s3], $0xF7A  }
0x26: {  	[smem:$0x3F99] =	sst s1;
	(tag) =	ssettag s2;
	_ =	strace s9  }
0x27: {  	s1 =	sld [smem:$0x3FA9]  }
0x28: {  	s2 =	sld [smem:$0x3FAA]  }
0x29: {  	s4 =	sld [smem:$0x3FAC]  }
0x2a: {  	p0 =	seq.s32 s5, $0x0;
	s5 =	sld [smem:$0x3FAD]  }
0x2b: {  	s6 =	sld [smem:$0x3FAE]  }
0x2c: {  	s7 =	sld [smem:$0x3FAF]  }
0x2d: {  	s3 =	simm.s32 $0x108;
	s8 =	sld [smem:$0x3FB0]  }
0x2e: {  	s3 =	simm.s32 @!p0 $0x1082;
	s9 =	sld [smem:$0x3FB1]  }
0x2f: {  	lr =	sadd.s32 s0, s3;
	s0 =	sld [smem:$0x3FA8]  }
0x30: {  	s3 =	sld [smem:$0x3FAB]  }
0x31: {  	[smem:$0x3FB4] =	sst s10  }
0x32: {  	s10 =	sld [smem:$0x3FB2];
	_ =	sdelay $0x3  }
0x33: {  	p0 =	seq.s32 s10, $0x1;
	s10 =	sld [smem:$0x3FB4];
	_ =	sdelay $0x3  }
0x34: {  	[smem:$0x3FB4] =	sst s10  }
0x35: {  	s10 =	sld [smem:$0x3FB3];
	_ =	sdelay $0x3  }
0x36: {  	p1 =	seq.s32 s10, $0x1;
	s10 =	sld [smem:$0x3FB4];
	_ =	sdelay $0x3  }
0x37: {  	[smem:$0x3FB4] =	sst s10  }
0x38: {  	s10 =	sld [smem:$0x3FB5]  }
0x39: {  	_ = 	snop;
	(pc) =	sbr.ind lr, $3  }
0x3a: {  	_ = 	snop  }
0x3b: {  	_ = 	snop  }
0x3c: {  	p2 =	seq.s32 s10, $0x1;
	s10 =	sld [smem:$0x3FB4]  }
0x3d: {  	_ =	shalt  }
0x3e: {  	_ =	shalt  }
0x3f: {  	_ =	shalt  }
0x40: {  	_ =	shalt  }
0x41: {  	_ =	shalt  }
0x42: {  	_ =	shalt  }
0x43: {  	_ =	shalt  }
0x44: {  	_ =	shalt  }
0x45: {  	_ =	shalt  }
0x46: {  	_ =	shalt  }
0x47: {  	_ =	shalt  }
0x48: {  	_ =	shalt  }
0x49: {  	_ =	shalt  }
0x4a: {  	_ =	shalt  }
0x4b: {  	_ =	shalt  }
0x4c: {  	_ =	shalt  }
0x4d: {  	_ =	shalt  }
0x4e: {  	_ =	shalt  }
0x4f: {  	_ =	shalt  }
0x50: {  	_ =	shalt  }
0x51: {  	_ =	shalt  }
0x52: {  	_ =	shalt  }
0x53: {  	_ =	shalt  }
0x54: {  	_ =	shalt  }
0x55: {  	_ =	shalt  }
0x56: {  	_ =	shalt  }
0x57: {  	_ =	shalt  }
0x58: {  	_ =	shalt  }
0x59: {  	_ =	shalt  }
0x5a: {  	_ =	shalt  }
0x5b: {  	_ =	shalt  }
0x5c: {  	_ =	shalt  }
0x5d: {  	_ =	shalt  }
0x5e: {  	_ =	shalt  }
0x5f: {  	_ =	shalt  }
0x60: {  	_ =	shalt  }
0x61: {  	_ =	shalt  }
0x62: {  	_ =	shalt  }
0x63: {  	_ =	shalt  }
0x64: {  	_ =	shalt  }
0x65: {  	_ =	shalt  }
0x66: {  	_ =	shalt  }
0x67: {  	_ =	shalt  }
0x68: {  	_ =	shalt  }
0x69: {  	_ =	shalt  }
0x6a: {  	_ =	shalt  }
0x6b: {  	_ =	shalt  }
0x6c: {  	_ =	shalt  }
0x6d: {  	_ =	shalt  }
0x6e: {  	_ =	shalt  }
0x6f: {  	_ =	shalt  }
0x70: {  	_ =	shalt  }
0x71: {  	_ =	shalt  }
0x72: {  	_ =	shalt  }
0x73: {  	_ =	shalt  }
0x74: {  	_ =	shalt  }
0x75: {  	_ =	shalt  }
0x76: {  	_ =	shalt  }
0x77: {  	_ =	shalt  }
0x78: {  	_ =	shalt  }
0x79: {  	_ =	shalt  }
0x7a: {  	_ =	shalt  }
0x7b: {  	_ =	shalt  }
0x7c: {  	_ =	shalt  }
0x7d: {  	_ =	shalt  }
0x7e: {  	_ =	shalt  }
0x7f: {  	_ =	shalt  }
0x80: {  	_ =	shalt  }
0x81: {  	_ =	shalt  }
0x82: {  	_ =	shalt  }
0x83: {  	_ =	shalt  }
0x84: {  	_ =	shalt  }
0x85: {  	_ =	shalt  }
0x86: {  	_ =	shalt  }
0x87: {  	_ =	shalt  }
.Lfunc_end0:
.L_simem_size_0:
called_computation_lowered:
.L_overlay_start_0:
0x88: {  	s2 =	sld [smem:$0x3FD9]  }
0x89: {  	s3 =	sld [smem:$0x3FFE];
	_ =	sdelay $0x1  }
0x8a: {  	s1 =	srdreg.scid  }
0x8b: {  	s0 =	sand.u32 $0x1, s1  }
0x8c: {  	s16 =	sshll.u32 s0, $0xA;
	s2 =	sadd.s32 s3, s2  }
0x8d: {  	s2 =	sadd.s32 s2, s16  }
0x8e: {  	[smem:$0x3FC0] =	sst s2  }
0x8f: {  	_ = 	snop  }
0x90: {  	(tm) =	ssettm $0x1  }
0x91: {  	s17 =	sld [smem:$0x3FFB];
	_ =	sdelay $0x3  }
0x92: {  	_ =	strace s17  }
0x93: {  	s2 =	sld [smem:$0x3FFC];
	_ =	sdelay $0x3  }
0x94: {  	_ =	strace s2  }
0x95: {  	s2 =	sld [smem:$0x3FFD];
	_ =	sdelay $0x3  }
0x96: {  	_ =	strace s2  }
0x97: {  	_ =	strace $0x8FFFFFFF  }
0x98: {  	s18 =	sld [smem:$0x3FDB];
	_ =	sdelay $0x1  }
0x99: {  	s19 =	simm.s32 $_scs_section_size  }
0x9a: {  	s4 =	simm.s32 $_size__tile_overlayer_lowered;
	s5 =	simm.s32 $_tile_overlayer_lowered  }
0x9b: {  	s22 =	simm.s32 $0x1BFF;
	s21 =	sshll.u32 s5, $0x1;
	s2 =	sadd.s32 s19, s18  }
0x9c: {  	s6 =	simm.s32 $0x0;
	s20 =	sshll.u32 s4, $0x1;
	s4 =	sadd.s32 s21, s2  }
0x9d: {  	[timem:s6], [sflag:s22] =	dma.local [hbm:s4], s20  }
0x9e: {  	_ =	swait.ge [sflag:s22], s20  }
0x9f: {  	s3 =	ssub.s32 $0x0, s20;
	[sflag:s22] =	ssyncset.done $0x0  }
0xa0: {  	[sflag:s22] =	ssyncadd.s32 s3;
	_ =	sdelay $0x1  }
0xa1: {  	s23 =	simm.s32 $0x1B8B  }
0xa2: {  	_ =	swait.ge [sflag:s23], $0x1  }
0xa3: {  	[sflag:s23] =	ssyncset.done $0x0  }
0xa4: {  	s25 =	simm.s32 $0x1B8E;
	s24 =	sld [smem:$0x3FFE];
	[sflag:s23] =	ssyncadd.s32 $0xFFFFFFFF  }
0xa5: {  	s26 =	simm.s32 $execute0_lowered;
	[smem:$0x3FD2] =	sst s25  }
0xa6: {  	s4 =	sshll.u32 s26, $0x1;
	_ =	strace $0x80000046;
	[dreg:$0x1] =	wrdreg $0xFFFFFFFF  }
0xa7: {  	s28 =	simm.s32 $_size_execute0_lowered;
	s2 =	sadd.s32 s2, s4;
	[dreg:$0x0] =	wrdreg $0x0  }
0xa8: {  	s4 =	sshll.u32 s28, $0x1;
	[dreg:$0x2] =	wrdreg s2  }
0xa9: {  	[dreg:$0x3] =	wrdreg s4  }
0xaa: {  	[dreg:$0x4] =	wrdreg $0xC0  }
0xab: {  	_ =	task [dreg:s6], $0x5FFFF  }
0xac: {  	[dreg:$0x1] =	wrdreg $0xFFFFFFFF  }
0xad: {  	[dreg:$0x0] =	wrdreg $0x60  }
0xae: {  	[dreg:$0x2] =	wrdreg s24  }
0xaf: {  	[dreg:$0x3] =	wrdreg $0x15D000  }
0xb0: {  	[dreg:$0x4] =	wrdreg $0x9  }
0xb1: {  	_ =	task.clear_ibuf [dreg:s6], $0x5FFFF;
	_ =	strace $0x90000046  }
0xb2: {  	s29 =	simm.s32 $0x9;
	_ =	strace $0x80000048  }
0xb3: {  	_ =	swait.ge [sflag:s29], $0x1  }
0xb4: {  	[sflag:s29] =	ssyncadd.s32 $0xFFFFFFFF  }
0xb5: {  	_ =	strace $0x90000048  }
0xb6: {  	_ =	sfence  }
0xb7: {  	s30 =	sld [smem:$0x0];
	_ =	sdelay $0x2  }
0xb8: {  	s31 =	sshll.u32 s1, $0xD;
	s1 =	sshrl.u32 s1, $0x2  }
0xb9: {  	s3 =	sand.u32 $0x4000, s31;
	s1 =	sadd.s32 s1, s30  }
0xba: {  	s0 =	sor.u32 s3, s0;
	s1 =	sshll.u32 s1, $0x11  }
0xbb: {  	s0 =	sor.u32 s1, s0  }
0xbc: {  	s0 =	sadd.s32 $0x8F2B, s0  }
0xbd: {  	[sflag:s0] =	ssyncadd.remote.s32 $0x1  }
0xbe: {  	_ =	sfence.sel $0xFFFF  }
0xbf: {  	[dreg:$0x0] =	wrdreg $0xFFFFFFFF;
	(pc) =	sbr.abs _section_cstart, $3  }
0xc0: {  	[dreg:$0x1] =	wrdreg $0xFFFFFFFF  }
0xc1: {  	_ =	task.clear_ibuf [dreg:s6], $0x2FFFF;
	_ =	strace $0x9FFFFFFF  }
0xc2: {  	(tm) =	ssettm $0x7FFFFFFF  }
0xc3: {  	_ =	shalt  }
tec
execute0_lowered:
.L_overlay_start_1:
0x0: {  	(tag) =	ssettag $0x1  }
0x1: {  	s4 =	rddreg [dreg:$0x0]  }
0x2: {  	s2 =	rddreg [dreg:$0x1]  }
0x3: {  	s0 =	rddreg [dreg:$0x2];
	s1 =	stileid.u32  }
0x4: {  	s5 =	srdreg.scid;
	s3 =	simm.s32 $0x0;
	s10 =	simm.s32 $0x4E80  }
0x5: {  	s12 =	simm.s32 $0xBD00;
	s13 =	simm.s32 $0x80;
	s6 =	smul.u32 $0x9D0, s1  }
0x6: {  	s14 =	simm.s32 $0x9D00;
	s5 =	sand.u32 $0x1, s5;
	s31 =	smul.u32 $0x9C00, s1  }
0x7: {  	s15 =	simm.s32 $0x1;
	[smem:$0x7FF] =	sst s3;
	s7 =	smul.u32 $0x13880, s5  }
0x8: {  	_ =	strace $0x80000047;
	s5 =	ssub.s32 $0x2, s5;
	s6 =	sadd.s32 s6, s4  }
0x9: {  	s30 =	sshrl.u32 s5, $0x1;
	s16 =	sshrl.u32 s31, $0x3;
	s8 =	sadd.s32 s7, s4  }
0xa: {  	s9 =	ssub.s32 s5, s30;
	s4 =	sadd.s32 $0xB800, s6;
	s5 =	sadd.s32 $0x1A00, s6  }
0xb: {  	s6 =	sadd.s32 s31, s2;
	s11 =	sadd.s32 $0x15600, s8;
	s7 =	sadd.s32 $0x63800, s8  }
0xc: {  	s17 =	sadd.s32 $0x8AA00, s8;
	s8 =	smax.u32 s9, $0x1;
	s9 =	simm.s32 $0x2  }
0xd: {  	s11 =	sadd.s32 s16, s11;
	s16 =	sadd.s32 s16, s17;
	s17 =	simm.s32 $0x0  }
.LBB2_1:
0xe: {  	[tilespmem:s3], [sflag:$0x2] =	stream.linear.gather [hbm4b:s4+s3], $0x4E80, $0x38;
	[tilespmem:$0x1F980] =	vst v63  }
0xf: {  	_ =	swait.ge [sflag:s9], $0x4E80  }
0x10: {  	[sflag:s9] =	ssyncset.done $0x0  }
0x11: {  	[sflag:s9] =	ssyncadd.s32 $0xFFFFB180  }
0x12: {  	[tilespmem:s10], [sflag:$0x2] =	stream.linear.gather [hbm4b:s5+s3], $0x4E80, $0x38;
	[tilespmem:$0x1F980] =	vst v63  }
0x13: {  	_ =	swait.ge [sflag:s9], $0x4E80  }
0x14: {  	[sflag:s9] =	ssyncset.done $0x0  }
0x15: {  	[sflag:s9] =	ssyncadd.s32 $0xFFFFB180  }
0x16: {  	[tilespmem:s12], [sflag:$0x2] =	stream.linear.gather [hbm4b:s11+s3], $0xA000, $0x38;
	[tilespmem:$0x1F980] =	vst v63  }
0x17: {  	_ =	swait.ge [sflag:s9], $0xA000  }
0x18: {  	[sflag:s9] =	ssyncset.done $0x0  }
0x19: {  	[sflag:s9] =	ssyncadd.s32 $0xFFFF6000  }
0x1a: {  	[spmem:s6] =	stream.linear.scatter [tilespmem:s12], [sflag:$0x2], $0xA000, $0x38;
	[tilespmem:$0x1F980] =	vst v63  }
0x1b: {  	_ =	swait.ge [sflag:s9], $0xA000  }
0x1c: {  	[sflag:s9] =	ssyncset.done $0x0  }
0x1d: {  	[sflag:s9] =	ssyncadd.s32 $0xFFFF6000  }
0x1e: {  	s18 =	simm.s32 $0x0;
	[bflag:$0x0] =	sbarrier.arrive $0xFFFF  }
0x1f: {  	[tilespmem:s14], [sflag:$0x1] =	stream.indirect.gather [hbm4b:s7+s13], $0x40, s18, s13, $0xb8;
	[tilespmem:$0x1F980] =	vst v63  }
0x20: {  	_ =	swait.ge [sflag:s15], $0x2000  }
0x21: {  	[sflag:s15] =	ssyncset.done $0x0  }
0x22: {  	s31 =	simm.s32 $0x4E80;
	[sflag:s15] =	ssyncadd.s32 $0xFFFFE000  }
0x23: {  	[spmem:s2] =	stream.indirect.scatter.add.f32 [tilespmem:s14], [sflag:$0x2], $0x40, s31, s13, $0xb8;
	[tilespmem:$0x1F980] =	vst v63  }
0x24: {  	_ =	swait.ge [sflag:s9], $0x2000  }
0x25: {  	s19 =	simm.s32 $0x400;
	s18 =	simm.s32 $0x200;
	[sflag:s9] =	ssyncset.done $0x0  }
.LBB2_2:
0x26: {  	s20 =	sshra.s32 s18, $0x2  }
0x27: {  	[sflag:s9] =	ssyncadd.s32 $0xFFFFE000;
	s18 =	smov.u32 s19;
	s21 =	sadd.s32 $0x200, s19  }
0x28: {  	[tilespmem:s14], [sflag:$0x1] =	stream.indirect.gather [hbm4b:s7+s13], $0x40, s20, s13, $0xb8;
	[tilespmem:$0x1F980] =	vst v63  }
0x29: {  	p0 =	sne.s32 s19, $0x13800;
	_ =	swait.ge [sflag:s15], $0x2000  }
.Ltmp0:
0x2a: {  	[sflag:s15] =	ssyncset.done $0x0;
	(pc) =	sbr.rel @p0 .LBB2_2-.Ltmp0, $4  }
0x2b: {  	s19 =	sadd.s32 $0x4E80, s20;
	[sflag:s15] =	ssyncadd.s32 $0xFFFFE000  }
0x2c: {  	[spmem:s2] =	stream.indirect.scatter.add.f32 [tilespmem:s14], [sflag:$0x2], $0x40, s19, s13, $0xb8;
	[tilespmem:$0x1F980] =	vst v63  }
0x2d: {  	_ =	swait.ge [sflag:s9], $0x2000  }
0x2e: {  	s19 =	smov.u32 s21;
	[sflag:s9] =	ssyncset.done $0x0  }
0x2f: {  	s18 =	sshra.s32 s18, $0x2;
	[sflag:s9] =	ssyncadd.s32 $0xFFFFE000  }
0x30: {  	[tilespmem:s14], [sflag:$0x1] =	stream.indirect.gather [hbm4b:s7+s13], $0x40, s18, s13, $0xb8;
	[tilespmem:$0x1F980] =	vst v63  }
0x31: {  	_ =	swait.ge [sflag:s15], $0x2000  }
0x32: {  	[sflag:s15] =	ssyncset.done $0x0  }
0x33: {  	s18 =	sadd.s32 $0x4E80, s18;
	[sflag:s15] =	ssyncadd.s32 $0xFFFFE000  }
0x34: {  	[spmem:s2] =	stream.indirect.scatter.add.f32 [tilespmem:s14], [sflag:$0x2], $0x40, s18, s13, $0xb8;
	[tilespmem:$0x1F980] =	vst v63  }
0x35: {  	_ =	swait.ge [sflag:s9], $0x2000  }
0x36: {  	[sflag:s9] =	ssyncset.done $0x0  }
0x37: {  	[sflag:s9] =	ssyncadd.s32 $0xFFFFE000  }
0x38: {  	[bflag:$0x0] =	sbarrier.arrive $0xFFFF  }
0x39: {  	[tilespmem:s12], [sflag:$0x2] =	stream.linear.gather [spmem:s6], $0xA000, $0x38;
	[tilespmem:$0x1F980] =	vst v63  }
0x3a: {  	s17 =	sadd.s32 $0x1, s17;
	_ =	swait.ge [sflag:s9], $0xA000  }
0x3b: {  	p0 =	sne.s32 s17, s8;
	[sflag:s9] =	ssyncset.done $0x0  }
.Ltmp1:
0x3c: {  	[sflag:s9] =	ssyncadd.s32 $0xFFFF6000;
	(pc) =	sbr.rel @p0 .LBB2_1-.Ltmp1, $4  }
0x3d: {  	[hbm4b:s16+s3] =	stream.linear.scatter [tilespmem:s12], [sflag:$0x2], $0xA000, $0x38;
	[tilespmem:$0x1F980] =	vst v63  }
0x3e: {  	_ =	swait.ge [sflag:s9], $0xA000  }
0x3f: {  	[sflag:s9] =	ssyncset.done $0x0  }
0x40: {  	[sflag:s9] =	ssyncadd.s32 $0xFFFF6000  }
0x41: {  	_ =	sfence.sel $0x180000  }
0x42: {  	[bflag:$0x0] =	sbarrier.arrive $0xFFFF  }
0x43: {  	p0 =	sne.s32 s1, $0x0;
	_ =	strace $0x90000047  }
0x44: {  	s0 =	sadd.s32 @!p0 $0x100000, s0;
	[bflag:$0x2] =	sbarrier.arrive $0xFFFF  }
0x45: {  	[sflag:s0] =	ssyncadd.tile.s32 @!p0 $0x1;
	_ =	shalt  }
.Lfunc_end2:
_tile_overlayer_lowered:
.L_overlay_start_2:
0x46: {  	(tag) =	ssettag $0x2  }
0x47: {  	s0 =	rddreg [dreg:$0x0];
	s2 =	stileid.u32  }
0x48: {  	s1 =	rddreg [dreg:$0x1];
	p0 =	sne.s32 s2, $0x0  }
0x49: {  	s3 =	rddreg [dreg:$0x2];
	[bflag:$0x3] =	sbarrier.arrive $0xFFFF;
	s2 =	simm.s32 @!p0 $0x1C02  }
0x4a: {  	[timem:s3], [sflag:s2] =	dma.local @!p0 [hbm:s0], s1  }
0x4b: {  	s0 =	simm.s32 @!p0 $0x2  }
0x4c: {  	_ =	swait.ge @!p0 [sflag:s0], s1  }
0x4d: {  	s1 =	ssub.s32 @!p0 $0x0, s1;
	[sflag:s0] =	ssyncset.done @!p0 $0x0  }
0x4e: {  	[sflag:s0] =	ssyncadd.s32 @!p0 s1  }
0x4f: {  	[bflag:$0x3] =	sbarrier.arrive $0xFFFF  }
0x50: {  	_ =	shalt  }

// kernel: kernel.9.cloned.1.call-start
scs
__scs_entry_jumppad:
0x0: {  	(pc) =	sbr.rel $0x88, $3  }
0x1: {  	(tag) =	ssettag $0x0;
	lr =	simm.s32 $0x1  }
0x2: {  	[smem:$0x3F99] =	sst lr;
	_ =	strace $0xD0000000  }
0x3: {  	_ = 	snop  }
0x4: {  	_ = 	snop  }
0x5: {  	_ = 	snop  }
0x6: {  	_ = 	snop  }
0x7: {  	_ = 	snop  }
__scs_overlays_trampoline_lowered:
0x8: {  	[smem:$0x3FA8] =	sst s0  }
0x9: {  	[smem:$0x3FA9] =	sst s1  }
0xa: {  	[smem:$0x3FAA] =	sst s2  }
0xb: {  	[smem:$0x3FAB] =	sst s3  }
0xc: {  	[smem:$0x3FAC] =	sst s4  }
0xd: {  	[smem:$0x3FAD] =	sst s5  }
0xe: {  	[smem:$0x3FAE] =	sst s6  }
0xf: {  	[smem:$0x3FAF] =	sst s7  }
0x10: {  	[smem:$0x3FB0] =	sst s8  }
0x11: {  	[smem:$0x3FB1] =	sst s9;
	s0 =	simm.s32 @!p0 $0x0  }
0x12: {  	s1 =	sld [smem:$0x3F97];
	s0 =	simm.s32 @p0 $0x1  }
0x13: {  	[smem:$0x3FB2] =	sst s0;
	s0 =	simm.s32 @!p1 $0x0  }
0x14: {  	s2 =	sld [smem:$0x3F96];
	s0 =	simm.s32 @p1 $0x1  }
0x15: {  	[smem:$0x3FB3] =	sst s0;
	s0 =	simm.s32 @!p2 $0x0  }
0x16: {  	s3 =	sld [smem:$0x3FDB];
	s0 =	simm.s32 @p2 $0x1  }
0x17: {  	s4 =	simm.s32 $0x1BF5;
	[smem:$0x3FB5] =	sst s0  }
0x18: {  	s0 =	sld [smem:$0x3F98];
	_ =	swait.ge [sflag:s4], $0x0  }
0x19: {  	s7 =	sld [smem:$0x3F99]  }
0x1a: {  	s8 =	sadd.s32 $0xFFFFE003, lr  }
0x1b: {  	s9 =	sadd.s32 $0xFFFFFEF7, lr;
	s5 =	simm.s32 $0xFFFFFFFF;
	p2 =	slt.u32 s8, $0xFFFFF086  }
0x1c: {  	p1 =	slt.u32 s9, $0xF7A;
	s5 =	simm.s32 @!p2 $0x0  }
0x1d: {  	s5 =	simm.s32 @p1 $0x1;
	p0 =	seq.s32 s7, s2  }
0x1e: {  	s7 =	smul.u32 @!p0 $0xF7A, s2;
	p2 =	seq.s32 @!p0 s5, $0x0  }
0x1f: {  	s9 =	smul.u32 $0xF7A, s1;
	s8 =	simm.s32 @!p0 $0x1BF5;
	p2 =	por !p2, p0  }
0x20: {  	[sflag:s8] =	ssyncset.s32 @!p0 $0xFFFFF086;
	s6 =	sadd.s32 @!p0 s3, s7;
	s7 =	simm.s32 @!p0 $0x108  }
0x21: {  	s3 =	sadd.s32 s3, s9;
	s6 =	sadd.s32 @!p0 $0x88, s6;
	s7 =	simm.s32 @p2 $0x1082  }
0x22: {  	[simem:s7], [sflag:s8] =	dma.local @!p0 [hbm:s6], $0xF7A  }
0x23: {  	s9 =	sor.u32 $0xD0000000, s2;
	s6 =	simm.s32 $0x108;
	_ =	swait.ge @!p0 [sflag:s8], $0x0  }
0x24: {  	s3 =	sadd.s32 $0x88, s3;
	s6 =	simm.s32 @!p1 $0x1082;
	[sflag:s4] =	ssyncset.s32 $0xFFFFF086  }
0x25: {  	[simem:s6], [sflag:s4] =	dma.local [hbm:s3], $0xF7A  }
0x26: {  	[smem:$0x3F99] =	sst s1;
	(tag) =	ssettag s2;
	_ =	strace s9  }
0x27: {  	s1 =	sld [smem:$0x3FA9]  }
0x28: {  	s2 =	sld [smem:$0x3FAA]  }
0x29: {  	s4 =	sld [smem:$0x3FAC]  }
0x2a: {  	p0 =	seq.s32 s5, $0x0;
	s5 =	sld [smem:$0x3FAD]  }
0x2b: {  	s6 =	sld [smem:$0x3FAE]  }
0x2c: {  	s7 =	sld [smem:$0x3FAF]  }
0x2d: {  	s3 =	simm.s32 $0x108;
	s8 =	sld [smem:$0x3FB0]  }
0x2e: {  	s3 =	simm.s32 @!p0 $0x1082;
	s9 =	sld [smem:$0x3FB1]  }
0x2f: {  	lr =	sadd.s32 s0, s3;
	s0 =	sld [smem:$0x3FA8]  }
0x30: {  	s3 =	sld [smem:$0x3FAB]  }
0x31: {  	[smem:$0x3FB4] =	sst s10  }
0x32: {  	s10 =	sld [smem:$0x3FB2];
	_ =	sdelay $0x3  }
0x33: {  	p0 =	seq.s32 s10, $0x1;
	s10 =	sld [smem:$0x3FB4];
	_ =	sdelay $0x3  }
0x34: {  	[smem:$0x3FB4] =	sst s10  }
0x35: {  	s10 =	sld [smem:$0x3FB3];
	_ =	sdelay $0x3  }
0x36: {  	p1 =	seq.s32 s10, $0x1;
	s10 =	sld [smem:$0x3FB4];
	_ =	sdelay $0x3  }
0x37: {  	[smem:$0x3FB4] =	sst s10  }
0x38: {  	s10 =	sld [smem:$0x3FB5]  }
0x39: {  	_ = 	snop;
	(pc) =	sbr.ind lr, $3  }
0x3a: {  	_ = 	snop  }
0x3b: {  	_ = 	snop  }
0x3c: {  	p2 =	seq.s32 s10, $0x1;
	s10 =	sld [smem:$0x3FB4]  }
0x3d: {  	_ =	shalt  }
0x3e: {  	_ =	shalt  }
0x3f: {  	_ =	shalt  }
0x40: {  	_ =	shalt  }
0x41: {  	_ =	shalt  }
0x42: {  	_ =	shalt  }
0x43: {  	_ =	shalt  }
0x44: {  	_ =	shalt  }
0x45: {  	_ =	shalt  }
0x46: {  	_ =	shalt  }
0x47: {  	_ =	shalt  }
0x48: {  	_ =	shalt  }
0x49: {  	_ =	shalt  }
0x4a: {  	_ =	shalt  }
0x4b: {  	_ =	shalt  }
0x4c: {  	_ =	shalt  }
0x4d: {  	_ =	shalt  }
0x4e: {  	_ =	shalt  }
0x4f: {  	_ =	shalt  }
0x50: {  	_ =	shalt  }
0x51: {  	_ =	shalt  }
0x52: {  	_ =	shalt  }
0x53: {  	_ =	shalt  }
0x54: {  	_ =	shalt  }
0x55: {  	_ =	shalt  }
0x56: {  	_ =	shalt  }
0x57: {  	_ =	shalt  }
0x58: {  	_ =	shalt  }
0x59: {  	_ =	shalt  }
0x5a: {  	_ =	shalt  }
0x5b: {  	_ =	shalt  }
0x5c: {  	_ =	shalt  }
0x5d: {  	_ =	shalt  }
0x5e: {  	_ =	shalt  }
0x5f: {  	_ =	shalt  }
0x60: {  	_ =	shalt  }
0x61: {  	_ =	shalt  }
0x62: {  	_ =	shalt  }
0x63: {  	_ =	shalt  }
0x64: {  	_ =	shalt  }
0x65: {  	_ =	shalt  }
0x66: {  	_ =	shalt  }
0x67: {  	_ =	shalt  }
0x68: {  	_ =	shalt  }
0x69: {  	_ =	shalt  }
0x6a: {  	_ =	shalt  }
0x6b: {  	_ =	shalt  }
0x6c: {  	_ =	shalt  }
0x6d: {  	_ =	shalt  }
0x6e: {  	_ =	shalt  }
0x6f: {  	_ =	shalt  }
0x70: {  	_ =	shalt  }
0x71: {  	_ =	shalt  }
0x72: {  	_ =	shalt  }
0x73: {  	_ =	shalt  }
0x74: {  	_ =	shalt  }
0x75: {  	_ =	shalt  }
0x76: {  	_ =	shalt  }
0x77: {  	_ =	shalt  }
0x78: {  	_ =	shalt  }
0x79: {  	_ =	shalt  }
0x7a: {  	_ =	shalt  }
0x7b: {  	_ =	shalt  }
0x7c: {  	_ =	shalt  }
0x7d: {  	_ =	shalt  }
0x7e: {  	_ =	shalt  }
0x7f: {  	_ =	shalt  }
0x80: {  	_ =	shalt  }
0x81: {  	_ =	shalt  }
0x82: {  	_ =	shalt  }
0x83: {  	_ =	shalt  }
0x84: {  	_ =	shalt  }
0x85: {  	_ =	shalt  }
0x86: {  	_ =	shalt  }
0x87: {  	_ =	shalt  }
.Lfunc_end0:
.L_simem_size_0:
called_computation.1_lowered:
.L_overlay_start_0:
0x88: {  	s2 =	sld [smem:$0x3FD9]  }
0x89: {  	s3 =	sld [smem:$0x3FFE];
	_ =	sdelay $0x1  }
0x8a: {  	s1 =	srdreg.scid  }
0x8b: {  	s0 =	sand.u32 $0x1, s1  }
0x8c: {  	s17 =	sshll.u32 s0, $0xA;
	s2 =	sadd.s32 s3, s2  }
0x8d: {  	s2 =	sadd.s32 s2, s17  }
0x8e: {  	[smem:$0x3FC0] =	sst s2  }
0x8f: {  	_ = 	snop  }
0x90: {  	s2 =	sld [smem:$0x3FD0];
	(tm) =	ssettm $0x1  }
0x91: {  	s18 =	sld [smem:$0x3FFB];
	_ =	sdelay $0x3  }
0x92: {  	_ =	strace s18  }
0x93: {  	s3 =	sld [smem:$0x3FFC];
	_ =	sdelay $0x3  }
0x94: {  	_ =	strace s3  }
0x95: {  	s3 =	sld [smem:$0x3FFD];
	_ =	sdelay $0x3  }
0x96: {  	_ =	strace s3  }
0x97: {  	_ =	strace $0x8FFFFFFF  }
0x98: {  	s19 =	sld [smem:$0x3FDB];
	_ =	sdelay $0x1  }
0x99: {  	s4 =	simm.s32 $_scs_section_size  }
0x9a: {  	s5 =	simm.s32 $_size__tile_overlayer_lowered;
	s6 =	simm.s32 $_tile_overlayer_lowered  }
0x9b: {  	s22 =	simm.s32 $0x1BFF;
	s21 =	sshll.u32 s6, $0x1;
	s3 =	sadd.s32 s4, s19  }
0x9c: {  	s7 =	simm.s32 $0x0;
	s20 =	sshll.u32 s5, $0x1;
	s5 =	sadd.s32 s21, s3  }
0x9d: {  	[timem:s7], [sflag:s22] =	dma.local [hbm:s5], s20  }
0x9e: {  	_ =	swait.ge [sflag:s22], s20  }
0x9f: {  	s4 =	ssub.s32 $0x0, s20;
	[sflag:s22] =	ssyncset.done $0x0  }
0xa0: {  	[sflag:s22] =	ssyncadd.s32 s4;
	_ =	sdelay $0x1  }
0xa1: {  	s23 =	simm.s32 $0x1B8B  }
0xa2: {  	_ =	swait.ge [sflag:s23], $0x1  }
0xa3: {  	[sflag:s23] =	ssyncset.done $0x0  }
0xa4: {  	s25 =	simm.s32 $0x1B8E;
	s24 =	sld [smem:$0x3FFE];
	[sflag:s23] =	ssyncadd.s32 $0xFFFFFFFF  }
0xa5: {  	s26 =	simm.s32 $execute0_lowered;
	[smem:$0x3FD2] =	sst s25  }
0xa6: {  	s5 =	sshll.u32 s26, $0x1;
	_ =	strace $0x80000049;
	[dreg:$0x1] =	wrdreg $0xFFFFFFFF  }
0xa7: {  	s28 =	simm.s32 $_size_execute0_lowered;
	s3 =	sadd.s32 s3, s5;
	[dreg:$0x0] =	wrdreg $0x0  }
0xa8: {  	s5 =	sshll.u32 s28, $0x1;
	[dreg:$0x2] =	wrdreg s3  }
0xa9: {  	[dreg:$0x3] =	wrdreg s5  }
0xaa: {  	[dreg:$0x4] =	wrdreg $0xC0  }
0xab: {  	_ =	task [dreg:s7], $0x5FFFF  }
0xac: {  	[dreg:$0x1] =	wrdreg $0xFFFFFFFF  }
0xad: {  	[dreg:$0x0] =	wrdreg $0x60  }
0xae: {  	[dreg:$0x2] =	wrdreg s2  }
0xaf: {  	[dreg:$0x3] =	wrdreg s24  }
0xb0: {  	[dreg:$0x4] =	wrdreg $0xFD000  }
0xb1: {  	[dreg:$0x5] =	wrdreg $0x9  }
0xb2: {  	_ =	task.clear_ibuf [dreg:s7], $0x6FFFF;
	_ =	strace $0x90000049  }
0xb3: {  	s29 =	simm.s32 $0x9;
	_ =	strace $0x8000004B  }
0xb4: {  	_ =	swait.ge [sflag:s29], $0x1  }
0xb5: {  	[sflag:s29] =	ssyncadd.s32 $0xFFFFFFFF  }
0xb6: {  	_ =	strace $0x9000004B  }
0xb7: {  	_ =	sfence  }
0xb8: {  	s30 =	sld [smem:$0x0];
	_ =	sdelay $0x2  }
0xb9: {  	s31 =	sshll.u32 s1, $0xD;
	s1 =	sshrl.u32 s1, $0x2  }
0xba: {  	s3 =	sand.u32 $0x4000, s31;
	s1 =	sadd.s32 s1, s30  }
0xbb: {  	s0 =	sor.u32 s3, s0;
	s1 =	sshll.u32 s1, $0x11  }
0xbc: {  	s0 =	sor.u32 s1, s0  }
0xbd: {  	s0 =	sadd.s32 $0x8F2B, s0  }
0xbe: {  	[sflag:s0] =	ssyncadd.remote.s32 $0x1  }
0xbf: {  	_ =	sfence.sel $0xFFFF  }
0xc0: {  	[dreg:$0x0] =	wrdreg $0xFFFFFFFF;
	(pc) =	sbr.abs _section_cstart, $3  }
0xc1: {  	[dreg:$0x1] =	wrdreg $0xFFFFFFFF  }
0xc2: {  	_ =	task.clear_ibuf [dreg:s7], $0x2FFFF;
	_ =	strace $0x9FFFFFFF  }
0xc3: {  	(tm) =	ssettm $0x7FFFFFFF  }
tec
execute0_lowered:
.L_overlay_start_1:
0x0: {  	(tag) =	ssettag $0x1  }
0x1: {  	s7 =	rddreg [dreg:$0x0]  }
0x2: {  	s4 =	rddreg [dreg:$0x1]  }
0x3: {  	s2 =	rddreg [dreg:$0x2]  }
0x4: {  	s0 =	rddreg [dreg:$0x3];
	s1 =	stileid.u32  }
0x5: {  	s5 =	srdreg.scid;
	s3 =	simm.s32 $0x0;
	s13 =	simm.s32 $0x80  }
0x6: {  	s14 =	simm.s32 $0x9D00;
	s15 =	simm.s32 $0x1;
	s6 =	smul.u32 $0x9D0, s1  }
0x7: {  	s5 =	sand.u32 $0x1, s5;
	[smem:$0x7FF] =	sst s3;
	s10 =	smul.u32 $0x4E00, s1  }
0x8: {  	s8 =	smul.u32 $0x9C40, s5;
	_ =	strace $0x8000004A;
	s5 =	ssub.s32 $0x2, s5  }
0x9: {  	s6 =	sadd.s32 s6, s4;
	s31 =	sshrl.u32 s5, $0x1;
	s16 =	sshrl.u32 s10, $0x3  }
0xa: {  	s9 =	sadd.s32 s8, s4;
	s11 =	ssub.s32 s5, s31;
	s4 =	sadd.s32 $0xB800, s6  }
0xb: {  	s5 =	sadd.s32 $0x1A00, s6;
	s6 =	sadd.s32 s10, s2;
	s7 =	sadd.s32 s7, s8  }
0xc: {  	s10 =	simm.s32 $0x4E80;
	s12 =	sadd.s32 $0x15600, s9;
	s17 =	sadd.s32 $0x29000, s9  }
0xd: {  	s8 =	smax.u32 s11, $0x1;
	s9 =	simm.s32 $0x2;
	s11 =	sadd.s32 s16, s12  }
0xe: {  	s12 =	simm.s32 $0xAD00;
	s16 =	sadd.s32 s16, s17;
	s17 =	simm.s32 $0x0  }
.LBB2_1:
0xf: {  	[tilespmem:s3], [sflag:$0x2] =	stream.linear.gather [hbm4b:s4+s3], $0x4E80, $0x38;
	[tilespmem:$0x14B40] =	vst v63  }
0x10: {  	_ =	swait.ge [sflag:s9], $0x4E80  }
0x11: {  	[sflag:s9] =	ssyncset.done $0x0  }
0x12: {  	[sflag:s9] =	ssyncadd.s32 $0xFFFFB180  }
0x13: {  	[tilespmem:s10], [sflag:$0x2] =	stream.linear.gather [hbm4b:s5+s3], $0x4E80, $0x38;
	[tilespmem:$0x14B40] =	vst v63  }
0x14: {  	_ =	swait.ge [sflag:s9], $0x4E80  }
0x15: {  	[sflag:s9] =	ssyncset.done $0x0  }
0x16: {  	[sflag:s9] =	ssyncadd.s32 $0xFFFFB180  }
0x17: {  	[tilespmem:s12], [sflag:$0x2] =	stream.linear.gather [hbm4b:s11+s3], $0x5000, $0x38;
	[tilespmem:$0x14B40] =	vst v63  }
0x18: {  	_ =	swait.ge [sflag:s9], $0x5000  }
0x19: {  	[sflag:s9] =	ssyncset.done $0x0  }
0x1a: {  	[sflag:s9] =	ssyncadd.s32 $0xFFFFB000  }
0x1b: {  	[spmem:s6] =	stream.linear.scatter [tilespmem:s12], [sflag:$0x2], $0x5000, $0x38;
	[tilespmem:$0x14B40] =	vst v63  }
0x1c: {  	_ =	swait.ge [sflag:s9], $0x5000  }
0x1d: {  	[sflag:s9] =	ssyncset.done $0x0  }
0x1e: {  	[sflag:s9] =	ssyncadd.s32 $0xFFFFB000  }
0x1f: {  	s18 =	simm.s32 $0x0;
	[bflag:$0x0] =	sbarrier.arrive $0xFFFF  }
0x20: {  	[tilespmem:s14], [sflag:$0x1] =	stream.indirect.gather [hbm4b:s7+s13], $0x20, s18, s13, $0xb8;
	[tilespmem:$0x14B40] =	vst v63  }
0x21: {  	_ =	swait.ge [sflag:s15], $0x1000  }
0x22: {  	[sflag:s15] =	ssyncset.done $0x0  }
0x23: {  	s31 =	simm.s32 $0x4E80;
	[sflag:s15] =	ssyncadd.s32 $0xFFFFF000  }
0x24: {  	[spmem:s2] =	stream.indirect.scatter.add.f32 [tilespmem:s14], [sflag:$0x2], $0x20, s31, s13, $0xb8;
	[tilespmem:$0x14B40] =	vst v63  }
0x25: {  	_ =	swait.ge [sflag:s9], $0x1000  }
0x26: {  	s19 =	simm.s32 $0x400;
	s18 =	simm.s32 $0x200;
	[sflag:s9] =	ssyncset.done $0x0  }
.LBB2_2:
0x27: {  	s20 =	sshra.s32 s18, $0x2  }
0x28: {  	[sflag:s9] =	ssyncadd.s32 $0xFFFFF000;
	s18 =	smov.u32 s19;
	s21 =	sadd.s32 $0x200, s19  }
0x29: {  	[tilespmem:s14], [sflag:$0x1] =	stream.indirect.gather [hbm4b:s7+s13], $0x20, s20, s13, $0xb8;
	[tilespmem:$0x14B40] =	vst v63  }
0x2a: {  	p0 =	sne.s32 s19, $0x13800;
	_ =	swait.ge [sflag:s15], $0x1000  }
.Ltmp0:
0x2b: {  	[sflag:s15] =	ssyncset.done $0x0;
	(pc) =	sbr.rel @p0 .LBB2_2-.Ltmp0, $4  }
0x2c: {  	s19 =	sadd.s32 $0x4E80, s20;
	[sflag:s15] =	ssyncadd.s32 $0xFFFFF000  }
0x2d: {  	[spmem:s2] =	stream.indirect.scatter.add.f32 [tilespmem:s14], [sflag:$0x2], $0x20, s19, s13, $0xb8;
	[tilespmem:$0x14B40] =	vst v63  }
0x2e: {  	_ =	swait.ge [sflag:s9], $0x1000  }
0x2f: {  	s19 =	smov.u32 s21;
	[sflag:s9] =	ssyncset.done $0x0  }
0x30: {  	s18 =	sshra.s32 s18, $0x2;
	[sflag:s9] =	ssyncadd.s32 $0xFFFFF000  }
0x31: {  	[tilespmem:s14], [sflag:$0x1] =	stream.indirect.gather [hbm4b:s7+s13], $0x20, s18, s13, $0xb8;
	[tilespmem:$0x14B40] =	vst v63  }
0x32: {  	_ =	swait.ge [sflag:s15], $0x1000  }
0x33: {  	[sflag:s15] =	ssyncset.done $0x0  }
0x34: {  	s18 =	sadd.s32 $0x4E80, s18;
	[sflag:s15] =	ssyncadd.s32 $0xFFFFF000  }
0x35: {  	[spmem:s2] =	stream.indirect.scatter.add.f32 [tilespmem:s14], [sflag:$0x2], $0x20, s18, s13, $0xb8;
	[tilespmem:$0x14B40] =	vst v63  }
0x36: {  	_ =	swait.ge [sflag:s9], $0x1000  }
0x37: {  	[sflag:s9] =	ssyncset.done $0x0  }
0x38: {  	[sflag:s9] =	ssyncadd.s32 $0xFFFFF000  }
0x39: {  	[bflag:$0x0] =	sbarrier.arrive $0xFFFF  }
0x3a: {  	[tilespmem:s12], [sflag:$0x2] =	stream.linear.gather [spmem:s6], $0x5000, $0x38;
	[tilespmem:$0x14B40] =	vst v63  }
0x3b: {  	s17 =	sadd.s32 $0x1, s17;
	_ =	swait.ge [sflag:s9], $0x5000  }
0x3c: {  	p0 =	sne.s32 s17, s8;
	[sflag:s9] =	ssyncset.done $0x0  }
.Ltmp1:
0x3d: {  	[sflag:s9] =	ssyncadd.s32 $0xFFFFB000;
	(pc) =	sbr.rel @p0 .LBB2_1-.Ltmp1, $4  }
0x3e: {  	[hbm4b:s16+s3] =	stream.linear.scatter [tilespmem:s12], [sflag:$0x2], $0x5000, $0x38;
	[tilespmem:$0x14B40] =	vst v63  }
0x3f: {  	_ =	swait.ge [sflag:s9], $0x5000  }
0x40: {  	[sflag:s9] =	ssyncset.done $0x0  }
0x41: {  	[sflag:s9] =	ssyncadd.s32 $0xFFFFB000  }
0x42: {  	_ =	sfence.sel $0x180000  }
0x43: {  	[bflag:$0x0] =	sbarrier.arrive $0xFFFF  }
0x44: {  	p0 =	sne.s32 s1, $0x0;
	_ =	strace $0x9000004A  }
0x45: {  	s0 =	sadd.s32 @!p0 $0x100000, s0;
	[bflag:$0x2] =	sbarrier.arrive $0xFFFF  }
0x46: {  	[sflag:s0] =	ssyncadd.tile.s32 @!p0 $0x1;
	_ =	shalt  }
.Lfunc_end2:
_tile_overlayer_lowered:
.L_overlay_start_2:
0x47: {  	(tag) =	ssettag $0x2  }
0x48: {  	s0 =	rddreg [dreg:$0x0];
	s2 =	stileid.u32  }
0x49: {  	s1 =	rddreg [dreg:$0x1];
	p0 =	sne.s32 s2, $0x0  }
0x4a: {  	s3 =	rddreg [dreg:$0x2];
	[bflag:$0x3] =	sbarrier.arrive $0xFFFF;
	s2 =	simm.s32 @!p0 $0x1C02  }
0x4b: {  	[timem:s3], [sflag:s2] =	dma.local @!p0 [hbm:s0], s1  }
0x4c: {  	s0 =	simm.s32 @!p0 $0x2  }
0x4d: {  	_ =	swait.ge @!p0 [sflag:s0], s1  }
0x4e: {  	s1 =	ssub.s32 @!p0 $0x0, s1;
	[sflag:s0] =	ssyncset.done @!p0 $0x0  }
0x4f: {  	[sflag:s0] =	ssyncadd.s32 @!p0 s1  }
0x50: {  	[bflag:$0x3] =	sbarrier.arrive $0xFFFF  }
0x51: {  	_ =	shalt  }

</sc_bundles>
